<compile_context>
chip_gen: v7x
topology: tpu7x:2x2x1
jax: 0.10.2.dev20260603
libtpu: 0.0.44.dev20260713+nightly
codegen_flags: <defaults>
</compile_context>

<pallas_src>
import functools

import jax
import jax.numpy as jnp
from jax import lax
from jax.experimental import pallas as pl
from jax.experimental.pallas import tpu as pltpu
from jax.experimental.pallas import tpu_sc as plsc

_E_DIM = 32
_BETA = 0.25

_T_BLK = 1024
_C_BLK = 1024
_SUB = 128
_I32_MAX = 2147483647


def _dist_body(zb, qc, c2, minv, mini):
    zt = zb[...].reshape(_E_DIM, _T_BLK)
    z2 = 0.5 * jnp.sum(zt * zt, axis=0, keepdims=True)
    rv = jnp.full((_SUB, _T_BLK), jnp.inf, jnp.float32)
    rk = jnp.zeros((_SUB, _T_BLK), jnp.int32)
    n_j = _C_BLK // _SUB
    for s in range(qc.shape[0] // _C_BLK):
        s0 = s * _C_BLK
        m = lax.dot_general(qc[s0:s0 + _C_BLK, :], zt,
                            (((1,), (0,)), ((), ())),
                            preferred_element_type=jnp.float32)
        for j in range(n_j):
            r0 = j * _SUB
            u = (z2 + c2[s0 + r0:s0 + r0 + _SUB, :]) - m[r0:r0 + _SUB, :]
            better = u < rv
            rv = jnp.where(better, u, rv)
            rk = jnp.where(better, s * n_j + j, rk)
    bmin = jnp.min(rv, axis=0, keepdims=True)
    comp = rk * _SUB + lax.broadcasted_iota(jnp.int32, rk.shape, 0)
    bidx = jnp.min(jnp.where(rv <= bmin, comp, _I32_MAX),
                   axis=0, keepdims=True)
    minv[...] = bmin.reshape(1, 1, _T_BLK)
    mini[...] = bidx.reshape(1, 1, _T_BLK)


def _dist_argmin(zr, qc, c2c):
    b = zr.shape[0]
    n_e = qc.shape[0]
    return pl.pallas_call(
        _dist_body,
        grid=(b,),
        in_specs=[
            pl.BlockSpec((1, _E_DIM, _T_BLK), lambda t: (t, 0, 0)),
            pl.BlockSpec((n_e, _E_DIM), lambda t: (0, 0)),
            pl.BlockSpec((n_e, 1), lambda t: (0, 0)),
        ],
        out_specs=[
            pl.BlockSpec((1, 1, _T_BLK), lambda t: (t, 0, 0)),
            pl.BlockSpec((1, 1, _T_BLK), lambda t: (t, 0, 0)),
        ],
        out_shape=[
            jax.ShapeDtypeStruct((b, 1, _T_BLK), jnp.float32),
            jax.ShapeDtypeStruct((b, 1, _T_BLK), jnp.int32),
        ],
        compiler_params=pltpu.CompilerParams(
            dimension_semantics=("parallel",)),
    )(zr, qc, c2c)


def _sc_gather(table, idx):
    info = plsc.get_sparse_core_info()
    nc, ns = info.num_cores, info.num_subcores
    nw = nc * ns
    b = idx.shape[0]
    d = table.shape[1]
    ch = 128
    per_w = b // nw
    k = per_w // ch
    idx3 = idx.reshape(nw, k, ch)
    mesh = plsc.VectorSubcoreMesh(core_axis_name="c", subcore_axis_name="s")

    @functools.partial(
        pl.kernel, mesh=mesh,
        out_type=jax.ShapeDtypeStruct((b, d), jnp.float32),
        scratch_types=[
            pltpu.VMEM((k, ch), jnp.int32),
            pltpu.VMEM((per_w, d), jnp.float32),
            pltpu.SemaphoreType.DMA,
        ],
    )
    def g(table_hbm, idx_hbm, out_hbm, idx_v, rows_v, sem):
        wid = lax.axis_index("s") * nc + lax.axis_index("c")
        pltpu.sync_copy(idx_hbm.at[wid], idx_v)
        cps = [pltpu.async_copy(table_hbm.at[idx_v.at[j]],
                                rows_v.at[pl.ds(j * ch, ch)], sem)
               for j in range(k)]
        for cp in cps:
            cp.wait()
        pltpu.sync_copy(rows_v, out_hbm.at[pl.ds(wid * per_w, per_w)])

    return g(table, idx3)


def kernel(z, emb_weight, proj_W, proj_b):
    b, cdim, h, w = z.shape
    zr = z.reshape(b, cdim, h * w)
    quant_codebook = emb_weight @ proj_W.T + proj_b
    c2 = jnp.sum(quant_codebook ** 2, axis=1)

    minv, mini = _dist_argmin(zr, quant_codebook,
                              (0.5 * c2).reshape(-1, 1))
    loss_sum = jnp.sum(minv)
    idx = mini.reshape(-1)
    qc_pad = jnp.pad(quant_codebook, ((0, 0), (0, 128 - _E_DIM)))
    z_q_flat = _sc_gather(qc_pad, idx)[:, :_E_DIM]

    z_q_out = jnp.transpose(z_q_flat.reshape(b, h, w, cdim), (0, 3, 1, 2))
    idx_out = mini.reshape(b, h, w)
    n_elems = b * h * w * cdim
    commit_loss = (_BETA + 1.0) * (2.0 * loss_sum) / n_elems
    zero = jnp.zeros((), dtype=jnp.float32)
    return ((z_q_out, zero, idx_out), (zero, zero, commit_loss, zero))

# --- scband reference (transcript-rebuilt; emitter-appended) ---
"""Pipeline reference for scband-sim-vq-5781025980421 (READ-ONLY COPY).

The authoritative reference and input builder live on the scoring server;
editing this copy changes nothing except your own understanding.
"""

import jax, jax.numpy as jnp
import numpy as np

N_E = 8192
E_DIM = 32
BETA = 0.25


def setup_inputs(seed: int = 0) -> dict:
    key = jax.random.key(seed)
    k1, k2, k3, k4 = jax.random.split(key, 4)
    z = jax.random.normal(k1, (8, 32, 32, 32), dtype=jnp.float32)
    # frozen embedding table, init ~ N(0, e_dim**-0.5)
    emb_weight = jax.random.normal(k2, (N_E, E_DIM), dtype=jnp.float32) * (E_DIM ** -0.5)
    # nn.Linear default init: U(-1/sqrt(in), 1/sqrt(in)); W is [out, in]
    bound = 1.0 / np.sqrt(E_DIM)
    proj_W = jax.random.uniform(k3, (E_DIM, E_DIM), minval=-bound, maxval=bound, dtype=jnp.float32)
    proj_b = jax.random.uniform(k4, (E_DIM,), minval=-bound, maxval=bound, dtype=jnp.float32)
    return {"z": z, "emb_weight": emb_weight, "proj_W": proj_W, "proj_b": proj_b}


def reference(z, emb_weight, proj_W, proj_b):
    # z: [b, c, h, w] -> [b, h, w, c]
    zc = jnp.transpose(z, (0, 2, 3, 1))
    z_flat = zc.reshape(-1, E_DIM)
    # quant_codebook = embedding_proj(embedding.weight)
    quant_codebook = emb_weight @ proj_W.T + proj_b  # [n_e, e_dim]
    # squared L2 distances
    d = (jnp.sum(z_flat ** 2, axis=1, keepdims=True)
         + jnp.sum(quant_codebook ** 2, axis=1)
         - 2.0 * (z_flat @ quant_codebook.T))  # [B*H*W, n_e]
    min_encoding_indices = jnp.argmin(d, axis=1)
    z_q = jnp.take(quant_codebook, min_encoding_indices, axis=0).reshape(zc.shape)
    # legacy=False branch
    commit_loss = (BETA * jnp.mean((jax.lax.stop_gradient(z_q) - zc) ** 2)
                   + jnp.mean((z_q - jax.lax.stop_gradient(zc)) ** 2))
    # straight-through estimator
    z_q_st = zc + jax.lax.stop_gradient(z_q - zc)
    z_q_out = jnp.transpose(z_q_st, (0, 3, 1, 2))  # b c h w
    # sane_index_shape=True
    idx_out = min_encoding_indices.reshape(z_q_out.shape[0], z_q_out.shape[2], z_q_out.shape[3])
    zero = jnp.zeros((), dtype=jnp.float32)
    return ((z_q_out, zero, idx_out), (zero, zero, commit_loss, zero))

if __name__ == "__main__":
    import jax
    _d = setup_inputs()
    print(jax.jit(kernel)(*tuple(_d.values())))

</pallas_src>

<mosaic_0001>
#map = affine_map<(d0, d1) -> (0, 0)>
#map1 = affine_map<(d0, d1) -> (0, 0, 0)>
module attributes {stable_mosaic.version = 14 : i64} {
  func.func @g(%arg0: i32, %arg1: i32, %arg2: memref<8192x128xf32, #tpu.memory_space<hbm>>, %arg3: memref<32x2x128xi32, #tpu.memory_space<hbm>>, %arg4: memref<8192x128xf32, #tpu.memory_space<hbm>>, %arg5: memref<2x128xi32, #tpu.memory_space<vmem>>, %arg6: memref<256x128xf32, #tpu.memory_space<vmem>>, %arg7: memref<!tpu.dma_semaphore, #tpu.memory_space<semaphore_mem>>) attributes {dimension_semantics = [#tpu.dimension_semantics<core_parallel>, #tpu.dimension_semantics<subcore_parallel>], iteration_bounds = array<i64: 2, 16>, scalar_prefetch = 0 : i64, scratch_operands = 3 : i64, tpu.core_type = #tpu.core_type<sc_vector_subcore>, window_params = [{transform_indices = #map}, {transform_indices = #map1}, {transform_indices = #map}]} {
    %mul3A = arith.constant 2 : i32
    %mul3A_0 = arith.muli %arg1, %mul3A : i32
    %add3A = arith.addi %mul3A_0, %arg0 : i32
    "tpu.region"() ({
      %run_scoped3A = tpu.sem_alloc : memref<!tpu.dma_semaphore, #tpu.memory_space<semaphore_mem>>
      %dma_start3A_41 = arith.constant 0 : i32
      %dma_start3A_42 = arith.constant 0 : i32
      %dma_start3A_43 = tpu.memref_slice %arg3[%add3A, %dma_start3A_41, %dma_start3A_42] : memref<32x2x128xi32, #tpu.memory_space<hbm>> -> memref<1x2x128xi32, #tpu.memory_space<hbm>>
      %dma_start3A_44 = tpu.memref_squeeze %dma_start3A_43 : memref<1x2x128xi32, #tpu.memory_space<hbm>> -> memref<2x128xi32, #tpu.memory_space<hbm>>
      %dma_start3A_45 = arith.constant 0 : i32
      %dma_start3A_46 = arith.constant 0 : i32
      %dma_start3A_47 = tpu.memref_slice %arg3[%add3A, %dma_start3A_45, %dma_start3A_46] : memref<32x2x128xi32, #tpu.memory_space<hbm>> -> memref<1x2x128xi32, #tpu.memory_space<hbm>>
      %dma_start3A_48 = tpu.memref_squeeze %dma_start3A_47 : memref<1x2x128xi32, #tpu.memory_space<hbm>> -> memref<2x128xi32, #tpu.memory_space<hbm>>
      tpu.enqueue_dma source(%dma_start3A_48 : memref<2x128xi32, #tpu.memory_space<hbm>>) target(%arg5 : memref<2x128xi32, #tpu.memory_space<vmem>>) target_semaphore(%run_scoped3A : memref<!tpu.dma_semaphore, #tpu.memory_space<semaphore_mem>>)
      %dma_wait3A_49 = arith.constant 0 : i32
      %dma_wait3A_50 = arith.constant 0 : i32
      %dma_wait3A_51 = tpu.memref_slice %arg3[%add3A, %dma_wait3A_49, %dma_wait3A_50] : memref<32x2x128xi32, #tpu.memory_space<hbm>> -> memref<1x2x128xi32, #tpu.memory_space<hbm>>
      %dma_wait3A_52 = tpu.memref_squeeze %dma_wait3A_51 : memref<1x2x128xi32, #tpu.memory_space<hbm>> -> memref<2x128xi32, #tpu.memory_space<hbm>>
      %dma_wait3A_53 = arith.constant 0 : i32
      %dma_wait3A_54 = arith.constant 0 : i32
      %dma_wait3A_55 = tpu.memref_slice %arg3[%add3A, %dma_wait3A_53, %dma_wait3A_54] : memref<32x2x128xi32, #tpu.memory_space<hbm>> -> memref<1x2x128xi32, #tpu.memory_space<hbm>>
      %dma_wait3A_56 = tpu.memref_squeeze %dma_wait3A_55 : memref<1x2x128xi32, #tpu.memory_space<hbm>> -> memref<2x128xi32, #tpu.memory_space<hbm>>
      tpu.wait_dma2 semaphore(%run_scoped3A : memref<!tpu.dma_semaphore, #tpu.memory_space<semaphore_mem>>) src(%dma_wait3A_56 : memref<2x128xi32, #tpu.memory_space<hbm>>) dst(%arg5 : memref<2x128xi32, #tpu.memory_space<vmem>>)
      tpu.yield
    }) : () -> ()
    %dma_start3A = arith.constant 0 : i32
    %dma_start3A_1 = arith.constant 0 : i32
    %dma_start3A_2 = arith.constant 0 : i32
    %dma_start3A_3 = tpu.memref_slice %arg6[%dma_start3A_1, %dma_start3A_2] : memref<256x128xf32, #tpu.memory_space<vmem>> -> memref<128x128xf32, #tpu.memory_space<vmem>>
    %dma_start3A_4 = arith.constant 0 : i32
    %dma_start3A_5 = tpu.memref_slice %arg5[%dma_start3A, %dma_start3A_4] : memref<2x128xi32, #tpu.memory_space<vmem>> -> memref<1x128xi32, #tpu.memory_space<vmem>>
    %dma_start3A_6 = tpu.memref_squeeze %dma_start3A_5 : memref<1x128xi32, #tpu.memory_space<vmem>> -> memref<128xi32, #tpu.memory_space<vmem>>
    %dma_start3A_7 = arith.constant 0 : i32
    %dma_start3A_8 = arith.constant 0 : i32
    %dma_start3A_9 = tpu.memref_slice %arg2[%dma_start3A_7, %dma_start3A_8] : memref<8192x128xf32, #tpu.memory_space<hbm>> -> memref<8192x128xf32, #tpu.memory_space<hbm>>
    tpu.enqueue_indirect_dma source(%dma_start3A_9 : memref<8192x128xf32, #tpu.memory_space<hbm>>) target(%dma_start3A_3 : memref<128x128xf32, #tpu.memory_space<vmem>>) offsets(%dma_start3A_6 : memref<128xi32, #tpu.memory_space<vmem>>) semaphore(%arg7 : memref<!tpu.dma_semaphore, #tpu.memory_space<semaphore_mem>>)
    %dma_start3A_10 = arith.constant 1 : i32
    %dma_start3A_11 = arith.constant 128 : i32
    %dma_start3A_12 = arith.constant 0 : i32
    %dma_start3A_13 = tpu.memref_slice %arg6[%dma_start3A_11, %dma_start3A_12] : memref<256x128xf32, #tpu.memory_space<vmem>> -> memref<128x128xf32, #tpu.memory_space<vmem>>
    %dma_start3A_14 = arith.constant 0 : i32
    %dma_start3A_15 = tpu.memref_slice %arg5[%dma_start3A_10, %dma_start3A_14] : memref<2x128xi32, #tpu.memory_space<vmem>> -> memref<1x128xi32, #tpu.memory_space<vmem>>
    %dma_start3A_16 = tpu.memref_squeeze %dma_start3A_15 : memref<1x128xi32, #tpu.memory_space<vmem>> -> memref<128xi32, #tpu.memory_space<vmem>>
    %dma_start3A_17 = arith.constant 0 : i32
    %dma_start3A_18 = arith.constant 0 : i32
    %dma_start3A_19 = tpu.memref_slice %arg2[%dma_start3A_17, %dma_start3A_18] : memref<8192x128xf32, #tpu.memory_space<hbm>> -> memref<8192x128xf32, #tpu.memory_space<hbm>>
    tpu.enqueue_indirect_dma source(%dma_start3A_19 : memref<8192x128xf32, #tpu.memory_space<hbm>>) target(%dma_start3A_13 : memref<128x128xf32, #tpu.memory_space<vmem>>) offsets(%dma_start3A_16 : memref<128xi32, #tpu.memory_space<vmem>>) semaphore(%arg7 : memref<!tpu.dma_semaphore, #tpu.memory_space<semaphore_mem>>)
    %dma_wait3A = arith.constant 0 : i32
    %dma_wait3A_20 = arith.constant 0 : i32
    %dma_wait3A_21 = arith.constant 0 : i32
    %dma_wait3A_22 = tpu.memref_slice %arg6[%dma_wait3A_20, %dma_wait3A_21] : memref<256x128xf32, #tpu.memory_space<vmem>> -> memref<128x128xf32, #tpu.memory_space<vmem>>
    %dma_wait3A_23 = arith.constant 0 : i32
    %dma_wait3A_24 = tpu.memref_slice %arg5[%dma_wait3A, %dma_wait3A_23] : memref<2x128xi32, #tpu.memory_space<vmem>> -> memref<1x128xi32, #tpu.memory_space<vmem>>
    %dma_wait3A_25 = tpu.memref_squeeze %dma_wait3A_24 : memref<1x128xi32, #tpu.memory_space<vmem>> -> memref<128xi32, #tpu.memory_space<vmem>>
    %dma_wait3A_26 = arith.constant 0 : i32
    %dma_wait3A_27 = arith.constant 0 : i32
    %dma_wait3A_28 = tpu.memref_slice %arg2[%dma_wait3A_26, %dma_wait3A_27] : memref<8192x128xf32, #tpu.memory_space<hbm>> -> memref<8192x128xf32, #tpu.memory_space<hbm>>
    tpu.wait_indirect_dma semaphore(%arg7 : memref<!tpu.dma_semaphore, #tpu.memory_space<semaphore_mem>>) src(%dma_wait3A_28 : memref<8192x128xf32, #tpu.memory_space<hbm>>) dst(%dma_wait3A_22 : memref<128x128xf32, #tpu.memory_space<vmem>>)
    %dma_wait3A_29 = arith.constant 1 : i32
    %dma_wait3A_30 = arith.constant 128 : i32
    %dma_wait3A_31 = arith.constant 0 : i32
    %dma_wait3A_32 = tpu.memref_slice %arg6[%dma_wait3A_30, %dma_wait3A_31] : memref<256x128xf32, #tpu.memory_space<vmem>> -> memref<128x128xf32, #tpu.memory_space<vmem>>
    %dma_wait3A_33 = arith.constant 0 : i32
    %dma_wait3A_34 = tpu.memref_slice %arg5[%dma_wait3A_29, %dma_wait3A_33] : memref<2x128xi32, #tpu.memory_space<vmem>> -> memref<1x128xi32, #tpu.memory_space<vmem>>
    %dma_wait3A_35 = tpu.memref_squeeze %dma_wait3A_34 : memref<1x128xi32, #tpu.memory_space<vmem>> -> memref<128xi32, #tpu.memory_space<vmem>>
    %dma_wait3A_36 = arith.constant 0 : i32
    %dma_wait3A_37 = arith.constant 0 : i32
    %dma_wait3A_38 = tpu.memref_slice %arg2[%dma_wait3A_36, %dma_wait3A_37] : memref<8192x128xf32, #tpu.memory_space<hbm>> -> memref<8192x128xf32, #tpu.memory_space<hbm>>
    tpu.wait_indirect_dma semaphore(%arg7 : memref<!tpu.dma_semaphore, #tpu.memory_space<semaphore_mem>>) src(%dma_wait3A_38 : memref<8192x128xf32, #tpu.memory_space<hbm>>) dst(%dma_wait3A_32 : memref<128x128xf32, #tpu.memory_space<vmem>>)
    %mul3A_39 = arith.constant 256 : i32
    %mul3A_40 = arith.muli %add3A, %mul3A_39 : i32
    "tpu.region"() ({
      %run_scoped3A = tpu.sem_alloc : memref<!tpu.dma_semaphore, #tpu.memory_space<semaphore_mem>>
      %dma_start3A_41 = arith.constant 0 : i32
      %dma_start3A_42 = tpu.memref_slice %arg4[%mul3A_40, %dma_start3A_41] : memref<8192x128xf32, #tpu.memory_space<hbm>> -> memref<256x128xf32, #tpu.memory_space<hbm>>
      %dma_start3A_43 = arith.constant 0 : i32
      %dma_start3A_44 = tpu.memref_slice %arg4[%mul3A_40, %dma_start3A_43] : memref<8192x128xf32, #tpu.memory_space<hbm>> -> memref<256x128xf32, #tpu.memory_space<hbm>>
      tpu.enqueue_dma source(%arg6 : memref<256x128xf32, #tpu.memory_space<vmem>>) target(%dma_start3A_44 : memref<256x128xf32, #tpu.memory_space<hbm>>) target_semaphore(%run_scoped3A : memref<!tpu.dma_semaphore, #tpu.memory_space<semaphore_mem>>)
      %dma_wait3A_45 = arith.constant 0 : i32
      %dma_wait3A_46 = tpu.memref_slice %arg4[%mul3A_40, %dma_wait3A_45] : memref<8192x128xf32, #tpu.memory_space<hbm>> -> memref<256x128xf32, #tpu.memory_space<hbm>>
      %dma_wait3A_47 = arith.constant 0 : i32
      %dma_wait3A_48 = tpu.memref_slice %arg4[%mul3A_40, %dma_wait3A_47] : memref<8192x128xf32, #tpu.memory_space<hbm>> -> memref<256x128xf32, #tpu.memory_space<hbm>>
      tpu.wait_dma2 semaphore(%run_scoped3A : memref<!tpu.dma_semaphore, #tpu.memory_space<semaphore_mem>>) src(%arg6 : memref<256x128xf32, #tpu.memory_space<vmem>>) dst(%dma_wait3A_48 : memref<256x128xf32, #tpu.memory_space<hbm>>)
      tpu.yield
    }) : () -> ()
    return
  }
}

module attributes {stable_mosaic.version = 14 : i64} {
  func.func @_dist_body(%arg0: i32, %arg1: memref<1x32x1024xf32, #tpu.memory_space<vmem>>, %arg2: memref<8192x32xf32, #tpu.memory_space<vmem>>, %arg3: memref<8192x1xf32, #tpu.memory_space<vmem>>, %arg4: memref<1x1x1024xf32, #tpu.memory_space<vmem>>, %arg5: memref<1x1x1024xi32, #tpu.memory_space<vmem>>) attributes {dimension_semantics = [#tpu.dimension_semantics<parallel>], iteration_bounds = array<i64: 8>, scalar_prefetch = 0 : i64, scratch_operands = 0 : i64, tpu.core_type = #tpu.core_type<tc>, window_params = [{transform_indices = @transform_0, window_bounds = array<i64: 1, 32, 1024>}, {pipeline_mode = #tpu.pipeline_mode<synchronous>, transform_indices = @transform_1, window_bounds = array<i64: 8192, 32>}, {pipeline_mode = #tpu.pipeline_mode<synchronous>, transform_indices = @transform_2, window_bounds = array<i64: 8192, 1>}, {transform_indices = @transform_3, window_bounds = array<i64: 1, 1, 1024>}, {transform_indices = @transform_4, window_bounds = array<i64: 1, 1, 1024>}]} {
    %get3A = arith.constant 0 : index
    %get3A_0 = arith.constant 0 : index
    %get3A_1 = arith.constant 0 : index
    %get3A_2 = vector.load %arg1[%get3A, %get3A_0, %get3A_1] : memref<1x32x1024xf32, #tpu.memory_space<vmem>>, vector<1x32x1024xf32>
    %reshape3A = vector.shape_cast %get3A_2 : vector<1x32x1024xf32> to vector<32x1024xf32>
    %mul3A = arith.mulf %reshape3A, %reshape3A : vector<32x1024xf32>
    %reduce_sum3A = arith.constant dense<0.000000e+00> : vector<1024xf32>
    %reduce_sum3A_3 = vector.multi_reduction <add>, %mul3A, %reduce_sum3A [0] : vector<32x1024xf32> to vector<1024xf32>
    %broadcast_in_dim3A = vector.shape_cast %reduce_sum3A_3 : vector<1024xf32> to vector<1x1024xf32>
    %mul3A_4 = arith.constant 5.000000e-01 : f32
    %mul3A_5 = vector.broadcast %mul3A_4 : f32 to vector<1x1024xf32>
    %mul3A_6 = arith.mulf %mul3A_5, %broadcast_in_dim3A : vector<1x1024xf32>
    %broadcast_in_dim3A_7 = arith.constant 0x7F800000 : f32
    %broadcast_in_dim3A_8 = vector.broadcast %broadcast_in_dim3A_7 : f32 to vector<128x1024xf32>
    %broadcast_in_dim3A_9 = arith.constant 0 : i32
    %broadcast_in_dim3A_10 = vector.broadcast %broadcast_in_dim3A_9 : i32 to vector<128x1024xi32>
    %get3A_11 = arith.constant 0 : index
    %get3A_12 = arith.constant 0 : index
    %get3A_13 = vector.load %arg2[%get3A_11, %get3A_12] : memref<8192x32xf32, #tpu.memory_space<vmem>>, vector<1024x32xf32>
    %dot_general3A = arith.constant dense<0.000000e+00> : vector<1024x1024xf32>
    %dot_general3A_14 = tpu.matmul %get3A_13, %reshape3A, %dot_general3A {dimension_numbers = #tpu.dot_dimension_numbers<[1], [0], [0], [1], [0, 0, 1, 1], [], []>, transpose_lhs_hint = false} : vector<1024x32xf32>, vector<32x1024xf32>, vector<1024x1024xf32> -> vector<1024x1024xf32>
    %get3A_15 = arith.constant 0 : index
    %get3A_16 = arith.constant 0 : index
    %get3A_17 = vector.load %arg3[%get3A_15, %get3A_16] : memref<8192x1xf32, #tpu.memory_space<vmem>>, vector<128x1xf32>
    %add3A = vector.broadcast %mul3A_6 : vector<1x1024xf32> to vector<128x1024xf32>
    %add3A_18 = vector.broadcast %get3A_17 : vector<128x1xf32> to vector<128x1024xf32>
    %add3A_19 = arith.addf %add3A, %add3A_18 : vector<128x1024xf32>
    %slice3A = vector.extract_strided_slice %dot_general3A_14 {offsets = [0, 0], sizes = [128, 1024], strides = [1, 1]} : vector<1024x1024xf32> to vector<128x1024xf32>
    %sub3A = arith.subf %add3A_19, %slice3A : vector<128x1024xf32>
    %lt3A = arith.cmpf olt, %sub3A, %broadcast_in_dim3A_8 : vector<128x1024xf32>
    %select_n3A = arith.select %lt3A, %sub3A, %broadcast_in_dim3A_8 : vector<128x1024xi1>, vector<128x1024xf32>
    %jit3A = arith.constant 0 : i32
    %broadcast_in_dim3A_20 = vector.broadcast %jit3A : i32 to vector<128x1024xi32>
    %select_n3A_21 = arith.select %lt3A, %broadcast_in_dim3A_20, %broadcast_in_dim3A_10 : vector<128x1024xi1>, vector<128x1024xi32>
    %get3A_22 = arith.constant 128 : index
    %get3A_23 = arith.constant 0 : index
    %get3A_24 = vector.load %arg3[%get3A_22, %get3A_23] : memref<8192x1xf32, #tpu.memory_space<vmem>>, vector<128x1xf32>
    %add3A_25 = vector.broadcast %mul3A_6 : vector<1x1024xf32> to vector<128x1024xf32>
    %add3A_26 = vector.broadcast %get3A_24 : vector<128x1xf32> to vector<128x1024xf32>
    %add3A_27 = arith.addf %add3A_25, %add3A_26 : vector<128x1024xf32>
    %slice3A_28 = vector.extract_strided_slice %dot_general3A_14 {offsets = [128, 0], sizes = [128, 1024], strides = [1, 1]} : vector<1024x1024xf32> to vector<128x1024xf32>
    %sub3A_29 = arith.subf %add3A_27, %slice3A_28 : vector<128x1024xf32>
    %lt3A_30 = arith.cmpf olt, %sub3A_29, %select_n3A : vector<128x1024xf32>
    %select_n3A_31 = arith.select %lt3A_30, %sub3A_29, %select_n3A : vector<128x1024xi1>, vector<128x1024xf32>
    %jit3A_32 = arith.constant 1 : i32
    %broadcast_in_dim3A_33 = vector.broadcast %jit3A_32 : i32 to vector<128x1024xi32>
    %select_n3A_34 = arith.select %lt3A_30, %broadcast_in_dim3A_33, %select_n3A_21 : vector<128x1024xi1>, vector<128x1024xi32>
    %get3A_35 = arith.constant 256 : index
    %get3A_36 = arith.constant 0 : index
    %get3A_37 = vector.load %arg3[%get3A_35, %get3A_36] : memref<8192x1xf32, #tpu.memory_space<vmem>>, vector<128x1xf32>
    %add3A_38 = vector.broadcast %mul3A_6 : vector<1x1024xf32> to vector<128x1024xf32>
    %add3A_39 = vector.broadcast %get3A_37 : vector<128x1xf32> to vector<128x1024xf32>
    %add3A_40 = arith.addf %add3A_38, %add3A_39 : vector<128x1024xf32>
    %slice3A_41 = vector.extract_strided_slice %dot_general3A_14 {offsets = [256, 0], sizes = [128, 1024], strides = [1, 1]} : vector<1024x1024xf32> to vector<128x1024xf32>
    %sub3A_42 = arith.subf %add3A_40, %slice3A_41 : vector<128x1024xf32>
    %lt3A_43 = arith.cmpf olt, %sub3A_42, %select_n3A_31 : vector<128x1024xf32>
    %select_n3A_44 = arith.select %lt3A_43, %sub3A_42, %select_n3A_31 : vector<128x1024xi1>, vector<128x1024xf32>
    %jit3A_45 = arith.constant 2 : i32
    %broadcast_in_dim3A_46 = vector.broadcast %jit3A_45 : i32 to vector<128x1024xi32>
    %select_n3A_47 = arith.select %lt3A_43, %broadcast_in_dim3A_46, %select_n3A_34 : vector<128x1024xi1>, vector<128x1024xi32>
    %get3A_48 = arith.constant 384 : index
    %get3A_49 = arith.constant 0 : index
    %get3A_50 = vector.load %arg3[%get3A_48, %get3A_49] : memref<8192x1xf32, #tpu.memory_space<vmem>>, vector<128x1xf32>
    %add3A_51 = vector.broadcast %mul3A_6 : vector<1x1024xf32> to vector<128x1024xf32>
    %add3A_52 = vector.broadcast %get3A_50 : vector<128x1xf32> to vector<128x1024xf32>
    %add3A_53 = arith.addf %add3A_51, %add3A_52 : vector<128x1024xf32>
    %slice3A_54 = vector.extract_strided_slice %dot_general3A_14 {offsets = [384, 0], sizes = [128, 1024], strides = [1, 1]} : vector<1024x1024xf32> to vector<128x1024xf32>
    %sub3A_55 = arith.subf %add3A_53, %slice3A_54 : vector<128x1024xf32>
    %lt3A_56 = arith.cmpf olt, %sub3A_55, %select_n3A_44 : vector<128x1024xf32>
    %select_n3A_57 = arith.select %lt3A_56, %sub3A_55, %select_n3A_44 : vector<128x1024xi1>, vector<128x1024xf32>
    %jit3A_58 = arith.constant 3 : i32
    %broadcast_in_dim3A_59 = vector.broadcast %jit3A_58 : i32 to vector<128x1024xi32>
    %select_n3A_60 = arith.select %lt3A_56, %broadcast_in_dim3A_59, %select_n3A_47 : vector<128x1024xi1>, vector<128x1024xi32>
    %get3A_61 = arith.constant 512 : index
    %get3A_62 = arith.constant 0 : index
    %get3A_63 = vector.load %arg3[%get3A_61, %get3A_62] : memref<8192x1xf32, #tpu.memory_space<vmem>>, vector<128x1xf32>
    %add3A_64 = vector.broadcast %mul3A_6 : vector<1x1024xf32> to vector<128x1024xf32>
    %add3A_65 = vector.broadcast %get3A_63 : vector<128x1xf32> to vector<128x1024xf32>
    %add3A_66 = arith.addf %add3A_64, %add3A_65 : vector<128x1024xf32>
    %slice3A_67 = vector.extract_strided_slice %dot_general3A_14 {offsets = [512, 0], sizes = [128, 1024], strides = [1, 1]} : vector<1024x1024xf32> to vector<128x1024xf32>
    %sub3A_68 = arith.subf %add3A_66, %slice3A_67 : vector<128x1024xf32>
    %lt3A_69 = arith.cmpf olt, %sub3A_68, %select_n3A_57 : vector<128x1024xf32>
    %select_n3A_70 = arith.select %lt3A_69, %sub3A_68, %select_n3A_57 : vector<128x1024xi1>, vector<128x1024xf32>
    %jit3A_71 = arith.constant 4 : i32
    %broadcast_in_dim3A_72 = vector.broadcast %jit3A_71 : i32 to vector<128x1024xi32>
    %select_n3A_73 = arith.select %lt3A_69, %broadcast_in_dim3A_72, %select_n3A_60 : vector<128x1024xi1>, vector<128x1024xi32>
    %get3A_74 = arith.constant 640 : index
    %get3A_75 = arith.constant 0 : index
    %get3A_76 = vector.load %arg3[%get3A_74, %get3A_75] : memref<8192x1xf32, #tpu.memory_space<vmem>>, vector<128x1xf32>
    %add3A_77 = vector.broadcast %mul3A_6 : vector<1x1024xf32> to vector<128x1024xf32>
    %add3A_78 = vector.broadcast %get3A_76 : vector<128x1xf32> to vector<128x1024xf32>
    %add3A_79 = arith.addf %add3A_77, %add3A_78 : vector<128x1024xf32>
    %slice3A_80 = vector.extract_strided_slice %dot_general3A_14 {offsets = [640, 0], sizes = [128, 1024], strides = [1, 1]} : vector<1024x1024xf32> to vector<128x1024xf32>
    %sub3A_81 = arith.subf %add3A_79, %slice3A_80 : vector<128x1024xf32>
    %lt3A_82 = arith.cmpf olt, %sub3A_81, %select_n3A_70 : vector<128x1024xf32>
    %select_n3A_83 = arith.select %lt3A_82, %sub3A_81, %select_n3A_70 : vector<128x1024xi1>, vector<128x1024xf32>
    %jit3A_84 = arith.constant 5 : i32
    %broadcast_in_dim3A_85 = vector.broadcast %jit3A_84 : i32 to vector<128x1024xi32>
    %select_n3A_86 = arith.select %lt3A_82, %broadcast_in_dim3A_85, %select_n3A_73 : vector<128x1024xi1>, vector<128x1024xi32>
    %get3A_87 = arith.constant 768 : index
    %get3A_88 = arith.constant 0 : index
    %get3A_89 = vector.load %arg3[%get3A_87, %get3A_88] : memref<8192x1xf32, #tpu.memory_space<vmem>>, vector<128x1xf32>
    %add3A_90 = vector.broadcast %mul3A_6 : vector<1x1024xf32> to vector<128x1024xf32>
    %add3A_91 = vector.broadcast %get3A_89 : vector<128x1xf32> to vector<128x1024xf32>
    %add3A_92 = arith.addf %add3A_90, %add3A_91 : vector<128x1024xf32>
    %slice3A_93 = vector.extract_strided_slice %dot_general3A_14 {offsets = [768, 0], sizes = [128, 1024], strides = [1, 1]} : vector<1024x1024xf32> to vector<128x1024xf32>
    %sub3A_94 = arith.subf %add3A_92, %slice3A_93 : vector<128x1024xf32>
    %lt3A_95 = arith.cmpf olt, %sub3A_94, %select_n3A_83 : vector<128x1024xf32>
    %select_n3A_96 = arith.select %lt3A_95, %sub3A_94, %select_n3A_83 : vector<128x1024xi1>, vector<128x1024xf32>
    %jit3A_97 = arith.constant 6 : i32
    %broadcast_in_dim3A_98 = vector.broadcast %jit3A_97 : i32 to vector<128x1024xi32>
    %select_n3A_99 = arith.select %lt3A_95, %broadcast_in_dim3A_98, %select_n3A_86 : vector<128x1024xi1>, vector<128x1024xi32>
    %get3A_100 = arith.constant 896 : index
    %get3A_101 = arith.constant 0 : index
    %get3A_102 = vector.load %arg3[%get3A_100, %get3A_101] : memref<8192x1xf32, #tpu.memory_space<vmem>>, vector<128x1xf32>
    %add3A_103 = vector.broadcast %mul3A_6 : vector<1x1024xf32> to vector<128x1024xf32>
    %add3A_104 = vector.broadcast %get3A_102 : vector<128x1xf32> to vector<128x1024xf32>
    %add3A_105 = arith.addf %add3A_103, %add3A_104 : vector<128x1024xf32>
    %slice3A_106 = vector.extract_strided_slice %dot_general3A_14 {offsets = [896, 0], sizes = [128, 1024], strides = [1, 1]} : vector<1024x1024xf32> to vector<128x1024xf32>
    %sub3A_107 = arith.subf %add3A_105, %slice3A_106 : vector<128x1024xf32>
    %lt3A_108 = arith.cmpf olt, %sub3A_107, %select_n3A_96 : vector<128x1024xf32>
    %select_n3A_109 = arith.select %lt3A_108, %sub3A_107, %select_n3A_96 : vector<128x1024xi1>, vector<128x1024xf32>
    %jit3A_110 = arith.constant 7 : i32
    %broadcast_in_dim3A_111 = vector.broadcast %jit3A_110 : i32 to vector<128x1024xi32>
    %select_n3A_112 = arith.select %lt3A_108, %broadcast_in_dim3A_111, %select_n3A_99 : vector<128x1024xi1>, vector<128x1024xi32>
    %get3A_113 = arith.constant 1024 : index
    %get3A_114 = arith.constant 0 : index
    %get3A_115 = vector.load %arg2[%get3A_113, %get3A_114] : memref<8192x32xf32, #tpu.memory_space<vmem>>, vector<1024x32xf32>
    %dot_general3A_116 = arith.constant dense<0.000000e+00> : vector<1024x1024xf32>
    %dot_general3A_117 = tpu.matmul %get3A_115, %reshape3A, %dot_general3A_116 {dimension_numbers = #tpu.dot_dimension_numbers<[1], [0], [0], [1], [0, 0, 1, 1], [], []>, transpose_lhs_hint = false} : vector<1024x32xf32>, vector<32x1024xf32>, vector<1024x1024xf32> -> vector<1024x1024xf32>
    %get3A_118 = arith.constant 1024 : index
    %get3A_119 = arith.constant 0 : index
    %get3A_120 = vector.load %arg3[%get3A_118, %get3A_119] : memref<8192x1xf32, #tpu.memory_space<vmem>>, vector<128x1xf32>
    %add3A_121 = vector.broadcast %mul3A_6 : vector<1x1024xf32> to vector<128x1024xf32>
    %add3A_122 = vector.broadcast %get3A_120 : vector<128x1xf32> to vector<128x1024xf32>
    %add3A_123 = arith.addf %add3A_121, %add3A_122 : vector<128x1024xf32>
    %slice3A_124 = vector.extract_strided_slice %dot_general3A_117 {offsets = [0, 0], sizes = [128, 1024], strides = [1, 1]} : vector<1024x1024xf32> to vector<128x1024xf32>
    %sub3A_125 = arith.subf %add3A_123, %slice3A_124 : vector<128x1024xf32>
    %lt3A_126 = arith.cmpf olt, %sub3A_125, %select_n3A_109 : vector<128x1024xf32>
    %select_n3A_127 = arith.select %lt3A_126, %sub3A_125, %select_n3A_109 : vector<128x1024xi1>, vector<128x1024xf32>
    %jit3A_128 = arith.constant 8 : i32
    %broadcast_in_dim3A_129 = vector.broadcast %jit3A_128 : i32 to vector<128x1024xi32>
    %select_n3A_130 = arith.select %lt3A_126, %broadcast_in_dim3A_129, %select_n3A_112 : vector<128x1024xi1>, vector<128x1024xi32>
    %get3A_131 = arith.constant 1152 : index
    %get3A_132 = arith.constant 0 : index
    %get3A_133 = vector.load %arg3[%get3A_131, %get3A_132] : memref<8192x1xf32, #tpu.memory_space<vmem>>, vector<128x1xf32>
    %add3A_134 = vector.broadcast %mul3A_6 : vector<1x1024xf32> to vector<128x1024xf32>
    %add3A_135 = vector.broadcast %get3A_133 : vector<128x1xf32> to vector<128x1024xf32>
    %add3A_136 = arith.addf %add3A_134, %add3A_135 : vector<128x1024xf32>
    %slice3A_137 = vector.extract_strided_slice %dot_general3A_117 {offsets = [128, 0], sizes = [128, 1024], strides = [1, 1]} : vector<1024x1024xf32> to vector<128x1024xf32>
    %sub3A_138 = arith.subf %add3A_136, %slice3A_137 : vector<128x1024xf32>
    %lt3A_139 = arith.cmpf olt, %sub3A_138, %select_n3A_127 : vector<128x1024xf32>
    %select_n3A_140 = arith.select %lt3A_139, %sub3A_138, %select_n3A_127 : vector<128x1024xi1>, vector<128x1024xf32>
    %jit3A_141 = arith.constant 9 : i32
    %broadcast_in_dim3A_142 = vector.broadcast %jit3A_141 : i32 to vector<128x1024xi32>
    %select_n3A_143 = arith.select %lt3A_139, %broadcast_in_dim3A_142, %select_n3A_130 : vector<128x1024xi1>, vector<128x1024xi32>
    %get3A_144 = arith.constant 1280 : index
    %get3A_145 = arith.constant 0 : index
    %get3A_146 = vector.load %arg3[%get3A_144, %get3A_145] : memref<8192x1xf32, #tpu.memory_space<vmem>>, vector<128x1xf32>
    %add3A_147 = vector.broadcast %mul3A_6 : vector<1x1024xf32> to vector<128x1024xf32>
    %add3A_148 = vector.broadcast %get3A_146 : vector<128x1xf32> to vector<128x1024xf32>
    %add3A_149 = arith.addf %add3A_147, %add3A_148 : vector<128x1024xf32>
    %slice3A_150 = vector.extract_strided_slice %dot_general3A_117 {offsets = [256, 0], sizes = [128, 1024], strides = [1, 1]} : vector<1024x1024xf32> to vector<128x1024xf32>
    %sub3A_151 = arith.subf %add3A_149, %slice3A_150 : vector<128x1024xf32>
    %lt3A_152 = arith.cmpf olt, %sub3A_151, %select_n3A_140 : vector<128x1024xf32>
    %select_n3A_153 = arith.select %lt3A_152, %sub3A_151, %select_n3A_140 : vector<128x1024xi1>, vector<128x1024xf32>
    %jit3A_154 = arith.constant 10 : i32
    %broadcast_in_dim3A_155 = vector.broadcast %jit3A_154 : i32 to vector<128x1024xi32>
    %select_n3A_156 = arith.select %lt3A_152, %broadcast_in_dim3A_155, %select_n3A_143 : vector<128x1024xi1>, vector<128x1024xi32>
    %get3A_157 = arith.constant 1408 : index
    %get3A_158 = arith.constant 0 : index
    %get3A_159 = vector.load %arg3[%get3A_157, %get3A_158] : memref<8192x1xf32, #tpu.memory_space<vmem>>, vector<128x1xf32>
    %add3A_160 = vector.broadcast %mul3A_6 : vector<1x1024xf32> to vector<128x1024xf32>
    %add3A_161 = vector.broadcast %get3A_159 : vector<128x1xf32> to vector<128x1024xf32>
    %add3A_162 = arith.addf %add3A_160, %add3A_161 : vector<128x1024xf32>
    %slice3A_163 = vector.extract_strided_slice %dot_general3A_117 {offsets = [384, 0], sizes = [128, 1024], strides = [1, 1]} : vector<1024x1024xf32> to vector<128x1024xf32>
    %sub3A_164 = arith.subf %add3A_162, %slice3A_163 : vector<128x1024xf32>
    %lt3A_165 = arith.cmpf olt, %sub3A_164, %select_n3A_153 : vector<128x1024xf32>
    %select_n3A_166 = arith.select %lt3A_165, %sub3A_164, %select_n3A_153 : vector<128x1024xi1>, vector<128x1024xf32>
    %jit3A_167 = arith.constant 11 : i32
    %broadcast_in_dim3A_168 = vector.broadcast %jit3A_167 : i32 to vector<128x1024xi32>
    %select_n3A_169 = arith.select %lt3A_165, %broadcast_in_dim3A_168, %select_n3A_156 : vector<128x1024xi1>, vector<128x1024xi32>
    %get3A_170 = arith.constant 1536 : index
    %get3A_171 = arith.constant 0 : index
    %get3A_172 = vector.load %arg3[%get3A_170, %get3A_171] : memref<8192x1xf32, #tpu.memory_space<vmem>>, vector<128x1xf32>
    %add3A_173 = vector.broadcast %mul3A_6 : vector<1x1024xf32> to vector<128x1024xf32>
    %add3A_174 = vector.broadcast %get3A_172 : vector<128x1xf32> to vector<128x1024xf32>
    %add3A_175 = arith.addf %add3A_173, %add3A_174 : vector<128x1024xf32>
    %slice3A_176 = vector.extract_strided_slice %dot_general3A_117 {offsets = [512, 0], sizes = [128, 1024], strides = [1, 1]} : vector<1024x1024xf32> to vector<128x1024xf32>
    %sub3A_177 = arith.subf %add3A_175, %slice3A_176 : vector<128x1024xf32>
    %lt3A_178 = arith.cmpf olt, %sub3A_177, %select_n3A_166 : vector<128x1024xf32>
    %select_n3A_179 = arith.select %lt3A_178, %sub3A_177, %select_n3A_166 : vector<128x1024xi1>, vector<128x1024xf32>
    %jit3A_180 = arith.constant 12 : i32
    %broadcast_in_dim3A_181 = vector.broadcast %jit3A_180 : i32 to vector<128x1024xi32>
    %select_n3A_182 = arith.select %lt3A_178, %broadcast_in_dim3A_181, %select_n3A_169 : vector<128x1024xi1>, vector<128x1024xi32>
    %get3A_183 = arith.constant 1664 : index
    %get3A_184 = arith.constant 0 : index
    %get3A_185 = vector.load %arg3[%get3A_183, %get3A_184] : memref<8192x1xf32, #tpu.memory_space<vmem>>, vector<128x1xf32>
    %add3A_186 = vector.broadcast %mul3A_6 : vector<1x1024xf32> to vector<128x1024xf32>
    %add3A_187 = vector.broadcast %get3A_185 : vector<128x1xf32> to vector<128x1024xf32>
    %add3A_188 = arith.addf %add3A_186, %add3A_187 : vector<128x1024xf32>
    %slice3A_189 = vector.extract_strided_slice %dot_general3A_117 {offsets = [640, 0], sizes = [128, 1024], strides = [1, 1]} : vector<1024x1024xf32> to vector<128x1024xf32>
    %sub3A_190 = arith.subf %add3A_188, %slice3A_189 : vector<128x1024xf32>
    %lt3A_191 = arith.cmpf olt, %sub3A_190, %select_n3A_179 : vector<128x1024xf32>
    %select_n3A_192 = arith.select %lt3A_191, %sub3A_190, %select_n3A_179 : vector<128x1024xi1>, vector<128x1024xf32>
    %jit3A_193 = arith.constant 13 : i32
    %broadcast_in_dim3A_194 = vector.broadcast %jit3A_193 : i32 to vector<128x1024xi32>
    %select_n3A_195 = arith.select %lt3A_191, %broadcast_in_dim3A_194, %select_n3A_182 : vector<128x1024xi1>, vector<128x1024xi32>
    %get3A_196 = arith.constant 1792 : index
    %get3A_197 = arith.constant 0 : index
    %get3A_198 = vector.load %arg3[%get3A_196, %get3A_197] : memref<8192x1xf32, #tpu.memory_space<vmem>>, vector<128x1xf32>
    %add3A_199 = vector.broadcast %mul3A_6 : vector<1x1024xf32> to vector<128x1024xf32>
    %add3A_200 = vector.broadcast %get3A_198 : vector<128x1xf32> to vector<128x1024xf32>
    %add3A_201 = arith.addf %add3A_199, %add3A_200 : vector<128x1024xf32>
    %slice3A_202 = vector.extract_strided_slice %dot_general3A_117 {offsets = [768, 0], sizes = [128, 1024], strides = [1, 1]} : vector<1024x1024xf32> to vector<128x1024xf32>
    %sub3A_203 = arith.subf %add3A_201, %slice3A_202 : vector<128x1024xf32>
    %lt3A_204 = arith.cmpf olt, %sub3A_203, %select_n3A_192 : vector<128x1024xf32>
    %select_n3A_205 = arith.select %lt3A_204, %sub3A_203, %select_n3A_192 : vector<128x1024xi1>, vector<128x1024xf32>
    %jit3A_206 = arith.constant 14 : i32
    %broadcast_in_dim3A_207 = vector.broadcast %jit3A_206 : i32 to vector<128x1024xi32>
    %select_n3A_208 = arith.select %lt3A_204, %broadcast_in_dim3A_207, %select_n3A_195 : vector<128x1024xi1>, vector<128x1024xi32>
    %get3A_209 = arith.constant 1920 : index
    %get3A_210 = arith.constant 0 : index
    %get3A_211 = vector.load %arg3[%get3A_209, %get3A_210] : memref<8192x1xf32, #tpu.memory_space<vmem>>, vector<128x1xf32>
    %add3A_212 = vector.broadcast %mul3A_6 : vector<1x1024xf32> to vector<128x1024xf32>
    %add3A_213 = vector.broadcast %get3A_211 : vector<128x1xf32> to vector<128x1024xf32>
    %add3A_214 = arith.addf %add3A_212, %add3A_213 : vector<128x1024xf32>
    %slice3A_215 = vector.extract_strided_slice %dot_general3A_117 {offsets = [896, 0], sizes = [128, 1024], strides = [1, 1]} : vector<1024x1024xf32> to vector<128x1024xf32>
    %sub3A_216 = arith.subf %add3A_214, %slice3A_215 : vector<128x1024xf32>
    %lt3A_217 = arith.cmpf olt, %sub3A_216, %select_n3A_205 : vector<128x1024xf32>
    %select_n3A_218 = arith.select %lt3A_217, %sub3A_216, %select_n3A_205 : vector<128x1024xi1>, vector<128x1024xf32>
    %jit3A_219 = arith.constant 15 : i32
    %broadcast_in_dim3A_220 = vector.broadcast %jit3A_219 : i32 to vector<128x1024xi32>
    %select_n3A_221 = arith.select %lt3A_217, %broadcast_in_dim3A_220, %select_n3A_208 : vector<128x1024xi1>, vector<128x1024xi32>
    %get3A_222 = arith.constant 2048 : index
    %get3A_223 = arith.constant 0 : index
    %get3A_224 = vector.load %arg2[%get3A_222, %get3A_223] : memref<8192x32xf32, #tpu.memory_space<vmem>>, vector<1024x32xf32>
    %dot_general3A_225 = arith.constant dense<0.000000e+00> : vector<1024x1024xf32>
    %dot_general3A_226 = tpu.matmul %get3A_224, %reshape3A, %dot_general3A_225 {dimension_numbers = #tpu.dot_dimension_numbers<[1], [0], [0], [1], [0, 0, 1, 1], [], []>, transpose_lhs_hint = false} : vector<1024x32xf32>, vector<32x1024xf32>, vector<1024x1024xf32> -> vector<1024x1024xf32>
    %get3A_227 = arith.constant 2048 : index
    %get3A_228 = arith.constant 0 : index
    %get3A_229 = vector.load %arg3[%get3A_227, %get3A_228] : memref<8192x1xf32, #tpu.memory_space<vmem>>, vector<128x1xf32>
    %add3A_230 = vector.broadcast %mul3A_6 : vector<1x1024xf32> to vector<128x1024xf32>
    %add3A_231 = vector.broadcast %get3A_229 : vector<128x1xf32> to vector<128x1024xf32>
    %add3A_232 = arith.addf %add3A_230, %add3A_231 : vector<128x1024xf32>
    %slice3A_233 = vector.extract_strided_slice %dot_general3A_226 {offsets = [0, 0], sizes = [128, 1024], strides = [1, 1]} : vector<1024x1024xf32> to vector<128x1024xf32>
    %sub3A_234 = arith.subf %add3A_232, %slice3A_233 : vector<128x1024xf32>
    %lt3A_235 = arith.cmpf olt, %sub3A_234, %select_n3A_218 : vector<128x1024xf32>
    %select_n3A_236 = arith.select %lt3A_235, %sub3A_234, %select_n3A_218 : vector<128x1024xi1>, vector<128x1024xf32>
    %jit3A_237 = arith.constant 16 : i32
    %broadcast_in_dim3A_238 = vector.broadcast %jit3A_237 : i32 to vector<128x1024xi32>
    %select_n3A_239 = arith.select %lt3A_235, %broadcast_in_dim3A_238, %select_n3A_221 : vector<128x1024xi1>, vector<128x1024xi32>
    %get3A_240 = arith.constant 2176 : index
    %get3A_241 = arith.constant 0 : index
    %get3A_242 = vector.load %arg3[%get3A_240, %get3A_241] : memref<8192x1xf32, #tpu.memory_space<vmem>>, vector<128x1xf32>
    %add3A_243 = vector.broadcast %mul3A_6 : vector<1x1024xf32> to vector<128x1024xf32>
    %add3A_244 = vector.broadcast %get3A_242 : vector<128x1xf32> to vector<128x1024xf32>
    %add3A_245 = arith.addf %add3A_243, %add3A_244 : vector<128x1024xf32>
    %slice3A_246 = vector.extract_strided_slice %dot_general3A_226 {offsets = [128, 0], sizes = [128, 1024], strides = [1, 1]} : vector<1024x1024xf32> to vector<128x1024xf32>
    %sub3A_247 = arith.subf %add3A_245, %slice3A_246 : vector<128x1024xf32>
    %lt3A_248 = arith.cmpf olt, %sub3A_247, %select_n3A_236 : vector<128x1024xf32>
    %select_n3A_249 = arith.select %lt3A_248, %sub3A_247, %select_n3A_236 : vector<128x1024xi1>, vector<128x1024xf32>
    %jit3A_250 = arith.constant 17 : i32
    %broadcast_in_dim3A_251 = vector.broadcast %jit3A_250 : i32 to vector<128x1024xi32>
    %select_n3A_252 = arith.select %lt3A_248, %broadcast_in_dim3A_251, %select_n3A_239 : vector<128x1024xi1>, vector<128x1024xi32>
    %get3A_253 = arith.constant 2304 : index
    %get3A_254 = arith.constant 0 : index
    %get3A_255 = vector.load %arg3[%get3A_253, %get3A_254] : memref<8192x1xf32, #tpu.memory_space<vmem>>, vector<128x1xf32>
    %add3A_256 = vector.broadcast %mul3A_6 : vector<1x1024xf32> to vector<128x1024xf32>
    %add3A_257 = vector.broadcast %get3A_255 : vector<128x1xf32> to vector<128x1024xf32>
    %add3A_258 = arith.addf %add3A_256, %add3A_257 : vector<128x1024xf32>
    %slice3A_259 = vector.extract_strided_slice %dot_general3A_226 {offsets = [256, 0], sizes = [128, 1024], strides = [1, 1]} : vector<1024x1024xf32> to vector<128x1024xf32>
    %sub3A_260 = arith.subf %add3A_258, %slice3A_259 : vector<128x1024xf32>
    %lt3A_261 = arith.cmpf olt, %sub3A_260, %select_n3A_249 : vector<128x1024xf32>
    %select_n3A_262 = arith.select %lt3A_261, %sub3A_260, %select_n3A_249 : vector<128x1024xi1>, vector<128x1024xf32>
    %jit3A_263 = arith.constant 18 : i32
    %broadcast_in_dim3A_264 = vector.broadcast %jit3A_263 : i32 to vector<128x1024xi32>
    %select_n3A_265 = arith.select %lt3A_261, %broadcast_in_dim3A_264, %select_n3A_252 : vector<128x1024xi1>, vector<128x1024xi32>
    %get3A_266 = arith.constant 2432 : index
    %get3A_267 = arith.constant 0 : index
    %get3A_268 = vector.load %arg3[%get3A_266, %get3A_267] : memref<8192x1xf32, #tpu.memory_space<vmem>>, vector<128x1xf32>
    %add3A_269 = vector.broadcast %mul3A_6 : vector<1x1024xf32> to vector<128x1024xf32>
    %add3A_270 = vector.broadcast %get3A_268 : vector<128x1xf32> to vector<128x1024xf32>
    %add3A_271 = arith.addf %add3A_269, %add3A_270 : vector<128x1024xf32>
    %slice3A_272 = vector.extract_strided_slice %dot_general3A_226 {offsets = [384, 0], sizes = [128, 1024], strides = [1, 1]} : vector<1024x1024xf32> to vector<128x1024xf32>
    %sub3A_273 = arith.subf %add3A_271, %slice3A_272 : vector<128x1024xf32>
    %lt3A_274 = arith.cmpf olt, %sub3A_273, %select_n3A_262 : vector<128x1024xf32>
    %select_n3A_275 = arith.select %lt3A_274, %sub3A_273, %select_n3A_262 : vector<128x1024xi1>, vector<128x1024xf32>
    %jit3A_276 = arith.constant 19 : i32
    %broadcast_in_dim3A_277 = vector.broadcast %jit3A_276 : i32 to vector<128x1024xi32>
    %select_n3A_278 = arith.select %lt3A_274, %broadcast_in_dim3A_277, %select_n3A_265 : vector<128x1024xi1>, vector<128x1024xi32>
    %get3A_279 = arith.constant 2560 : index
    %get3A_280 = arith.constant 0 : index
    %get3A_281 = vector.load %arg3[%get3A_279, %get3A_280] : memref<8192x1xf32, #tpu.memory_space<vmem>>, vector<128x1xf32>
    %add3A_282 = vector.broadcast %mul3A_6 : vector<1x1024xf32> to vector<128x1024xf32>
    %add3A_283 = vector.broadcast %get3A_281 : vector<128x1xf32> to vector<128x1024xf32>
    %add3A_284 = arith.addf %add3A_282, %add3A_283 : vector<128x1024xf32>
    %slice3A_285 = vector.extract_strided_slice %dot_general3A_226 {offsets = [512, 0], sizes = [128, 1024], strides = [1, 1]} : vector<1024x1024xf32> to vector<128x1024xf32>
    %sub3A_286 = arith.subf %add3A_284, %slice3A_285 : vector<128x1024xf32>
    %lt3A_287 = arith.cmpf olt, %sub3A_286, %select_n3A_275 : vector<128x1024xf32>
    %select_n3A_288 = arith.select %lt3A_287, %sub3A_286, %select_n3A_275 : vector<128x1024xi1>, vector<128x1024xf32>
    %jit3A_289 = arith.constant 20 : i32
    %broadcast_in_dim3A_290 = vector.broadcast %jit3A_289 : i32 to vector<128x1024xi32>
    %select_n3A_291 = arith.select %lt3A_287, %broadcast_in_dim3A_290, %select_n3A_278 : vector<128x1024xi1>, vector<128x1024xi32>
    %get3A_292 = arith.constant 2688 : index
    %get3A_293 = arith.constant 0 : index
    %get3A_294 = vector.load %arg3[%get3A_292, %get3A_293] : memref<8192x1xf32, #tpu.memory_space<vmem>>, vector<128x1xf32>
    %add3A_295 = vector.broadcast %mul3A_6 : vector<1x1024xf32> to vector<128x1024xf32>
    %add3A_296 = vector.broadcast %get3A_294 : vector<128x1xf32> to vector<128x1024xf32>
    %add3A_297 = arith.addf %add3A_295, %add3A_296 : vector<128x1024xf32>
    %slice3A_298 = vector.extract_strided_slice %dot_general3A_226 {offsets = [640, 0], sizes = [128, 1024], strides = [1, 1]} : vector<1024x1024xf32> to vector<128x1024xf32>
    %sub3A_299 = arith.subf %add3A_297, %slice3A_298 : vector<128x1024xf32>
    %lt3A_300 = arith.cmpf olt, %sub3A_299, %select_n3A_288 : vector<128x1024xf32>
    %select_n3A_301 = arith.select %lt3A_300, %sub3A_299, %select_n3A_288 : vector<128x1024xi1>, vector<128x1024xf32>
    %jit3A_302 = arith.constant 21 : i32
    %broadcast_in_dim3A_303 = vector.broadcast %jit3A_302 : i32 to vector<128x1024xi32>
    %select_n3A_304 = arith.select %lt3A_300, %broadcast_in_dim3A_303, %select_n3A_291 : vector<128x1024xi1>, vector<128x1024xi32>
    %get3A_305 = arith.constant 2816 : index
    %get3A_306 = arith.constant 0 : index
    %get3A_307 = vector.load %arg3[%get3A_305, %get3A_306] : memref<8192x1xf32, #tpu.memory_space<vmem>>, vector<128x1xf32>
    %add3A_308 = vector.broadcast %mul3A_6 : vector<1x1024xf32> to vector<128x1024xf32>
    %add3A_309 = vector.broadcast %get3A_307 : vector<128x1xf32> to vector<128x1024xf32>
    %add3A_310 = arith.addf %add3A_308, %add3A_309 : vector<128x1024xf32>
    %slice3A_311 = vector.extract_strided_slice %dot_general3A_226 {offsets = [768, 0], sizes = [128, 1024], strides = [1, 1]} : vector<1024x1024xf32> to vector<128x1024xf32>
    %sub3A_312 = arith.subf %add3A_310, %slice3A_311 : vector<128x1024xf32>
    %lt3A_313 = arith.cmpf olt, %sub3A_312, %select_n3A_301 : vector<128x1024xf32>
    %select_n3A_314 = arith.select %lt3A_313, %sub3A_312, %select_n3A_301 : vector<128x1024xi1>, vector<128x1024xf32>
    %jit3A_315 = arith.constant 22 : i32
    %broadcast_in_dim3A_316 = vector.broadcast %jit3A_315 : i32 to vector<128x1024xi32>
    %select_n3A_317 = arith.select %lt3A_313, %broadcast_in_dim3A_316, %select_n3A_304 : vector<128x1024xi1>, vector<128x1024xi32>
    %get3A_318 = arith.constant 2944 : index
    %get3A_319 = arith.constant 0 : index
    %get3A_320 = vector.load %arg3[%get3A_318, %get3A_319] : memref<8192x1xf32, #tpu.memory_space<vmem>>, vector<128x1xf32>
    %add3A_321 = vector.broadcast %mul3A_6 : vector<1x1024xf32> to vector<128x1024xf32>
    %add3A_322 = vector.broadcast %get3A_320 : vector<128x1xf32> to vector<128x1024xf32>
    %add3A_323 = arith.addf %add3A_321, %add3A_322 : vector<128x1024xf32>
    %slice3A_324 = vector.extract_strided_slice %dot_general3A_226 {offsets = [896, 0], sizes = [128, 1024], strides = [1, 1]} : vector<1024x1024xf32> to vector<128x1024xf32>
    %sub3A_325 = arith.subf %add3A_323, %slice3A_324 : vector<128x1024xf32>
    %lt3A_326 = arith.cmpf olt, %sub3A_325, %select_n3A_314 : vector<128x1024xf32>
    %select_n3A_327 = arith.select %lt3A_326, %sub3A_325, %select_n3A_314 : vector<128x1024xi1>, vector<128x1024xf32>
    %jit3A_328 = arith.constant 23 : i32
    %broadcast_in_dim3A_329 = vector.broadcast %jit3A_328 : i32 to vector<128x1024xi32>
    %select_n3A_330 = arith.select %lt3A_326, %broadcast_in_dim3A_329, %select_n3A_317 : vector<128x1024xi1>, vector<128x1024xi32>
    %get3A_331 = arith.constant 3072 : index
    %get3A_332 = arith.constant 0 : index
    %get3A_333 = vector.load %arg2[%get3A_331, %get3A_332] : memref<8192x32xf32, #tpu.memory_space<vmem>>, vector<1024x32xf32>
    %dot_general3A_334 = arith.constant dense<0.000000e+00> : vector<1024x1024xf32>
    %dot_general3A_335 = tpu.matmul %get3A_333, %reshape3A, %dot_general3A_334 {dimension_numbers = #tpu.dot_dimension_numbers<[1], [0], [0], [1], [0, 0, 1, 1], [], []>, transpose_lhs_hint = false} : vector<1024x32xf32>, vector<32x1024xf32>, vector<1024x1024xf32> -> vector<1024x1024xf32>
    %get3A_336 = arith.constant 3072 : index
    %get3A_337 = arith.constant 0 : index
    %get3A_338 = vector.load %arg3[%get3A_336, %get3A_337] : memref<8192x1xf32, #tpu.memory_space<vmem>>, vector<128x1xf32>
    %add3A_339 = vector.broadcast %mul3A_6 : vector<1x1024xf32> to vector<128x1024xf32>
    %add3A_340 = vector.broadcast %get3A_338 : vector<128x1xf32> to vector<128x1024xf32>
    %add3A_341 = arith.addf %add3A_339, %add3A_340 : vector<128x1024xf32>
    %slice3A_342 = vector.extract_strided_slice %dot_general3A_335 {offsets = [0, 0], sizes = [128, 1024], strides = [1, 1]} : vector<1024x1024xf32> to vector<128x1024xf32>
    %sub3A_343 = arith.subf %add3A_341, %slice3A_342 : vector<128x1024xf32>
    %lt3A_344 = arith.cmpf olt, %sub3A_343, %select_n3A_327 : vector<128x1024xf32>
    %select_n3A_345 = arith.select %lt3A_344, %sub3A_343, %select_n3A_327 : vector<128x1024xi1>, vector<128x1024xf32>
    %jit3A_346 = arith.constant 24 : i32
    %broadcast_in_dim3A_347 = vector.broadcast %jit3A_346 : i32 to vector<128x1024xi32>
    %select_n3A_348 = arith.select %lt3A_344, %broadcast_in_dim3A_347, %select_n3A_330 : vector<128x1024xi1>, vector<128x1024xi32>
    %get3A_349 = arith.constant 3200 : index
    %get3A_350 = arith.constant 0 : index
    %get3A_351 = vector.load %arg3[%get3A_349, %get3A_350] : memref<8192x1xf32, #tpu.memory_space<vmem>>, vector<128x1xf32>
    %add3A_352 = vector.broadcast %mul3A_6 : vector<1x1024xf32> to vector<128x1024xf32>
    %add3A_353 = vector.broadcast %get3A_351 : vector<128x1xf32> to vector<128x1024xf32>
    %add3A_354 = arith.addf %add3A_352, %add3A_353 : vector<128x1024xf32>
    %slice3A_355 = vector.extract_strided_slice %dot_general3A_335 {offsets = [128, 0], sizes = [128, 1024], strides = [1, 1]} : vector<1024x1024xf32> to vector<128x1024xf32>
    %sub3A_356 = arith.subf %add3A_354, %slice3A_355 : vector<128x1024xf32>
    %lt3A_357 = arith.cmpf olt, %sub3A_356, %select_n3A_345 : vector<128x1024xf32>
    %select_n3A_358 = arith.select %lt3A_357, %sub3A_356, %select_n3A_345 : vector<128x1024xi1>, vector<128x1024xf32>
    %jit3A_359 = arith.constant 25 : i32
    %broadcast_in_dim3A_360 = vector.broadcast %jit3A_359 : i32 to vector<128x1024xi32>
    %select_n3A_361 = arith.select %lt3A_357, %broadcast_in_dim3A_360, %select_n3A_348 : vector<128x1024xi1>, vector<128x1024xi32>
    %get3A_362 = arith.constant 3328 : index
    %get3A_363 = arith.constant 0 : index
    %get3A_364 = vector.load %arg3[%get3A_362, %get3A_363] : memref<8192x1xf32, #tpu.memory_space<vmem>>, vector<128x1xf32>
    %add3A_365 = vector.broadcast %mul3A_6 : vector<1x1024xf32> to vector<128x1024xf32>
    %add3A_366 = vector.broadcast %get3A_364 : vector<128x1xf32> to vector<128x1024xf32>
    %add3A_367 = arith.addf %add3A_365, %add3A_366 : vector<128x1024xf32>
    %slice3A_368 = vector.extract_strided_slice %dot_general3A_335 {offsets = [256, 0], sizes = [128, 1024], strides = [1, 1]} : vector<1024x1024xf32> to vector<128x1024xf32>
    %sub3A_369 = arith.subf %add3A_367, %slice3A_368 : vector<128x1024xf32>
    %lt3A_370 = arith.cmpf olt, %sub3A_369, %select_n3A_358 : vector<128x1024xf32>
    %select_n3A_371 = arith.select %lt3A_370, %sub3A_369, %select_n3A_358 : vector<128x1024xi1>, vector<128x1024xf32>
    %jit3A_372 = arith.constant 26 : i32
    %broadcast_in_dim3A_373 = vector.broadcast %jit3A_372 : i32 to vector<128x1024xi32>
    %select_n3A_374 = arith.select %lt3A_370, %broadcast_in_dim3A_373, %select_n3A_361 : vector<128x1024xi1>, vector<128x1024xi32>
    %get3A_375 = arith.constant 3456 : index
    %get3A_376 = arith.constant 0 : index
    %get3A_377 = vector.load %arg3[%get3A_375, %get3A_376] : memref<8192x1xf32, #tpu.memory_space<vmem>>, vector<128x1xf32>
    %add3A_378 = vector.broadcast %mul3A_6 : vector<1x1024xf32> to vector<128x1024xf32>
    %add3A_379 = vector.broadcast %get3A_377 : vector<128x1xf32> to vector<128x1024xf32>
    %add3A_380 = arith.addf %add3A_378, %add3A_379 : vector<128x1024xf32>
    %slice3A_381 = vector.extract_strided_slice %dot_general3A_335 {offsets = [384, 0], sizes = [128, 1024], strides = [1, 1]} : vector<1024x1024xf32> to vector<128x1024xf32>
    %sub3A_382 = arith.subf %add3A_380, %slice3A_381 : vector<128x1024xf32>
    %lt3A_383 = arith.cmpf olt, %sub3A_382, %select_n3A_371 : vector<128x1024xf32>
    %select_n3A_384 = arith.select %lt3A_383, %sub3A_382, %select_n3A_371 : vector<128x1024xi1>, vector<128x1024xf32>
    %jit3A_385 = arith.constant 27 : i32
    %broadcast_in_dim3A_386 = vector.broadcast %jit3A_385 : i32 to vector<128x1024xi32>
    %select_n3A_387 = arith.select %lt3A_383, %broadcast_in_dim3A_386, %select_n3A_374 : vector<128x1024xi1>, vector<128x1024xi32>
    %get3A_388 = arith.constant 3584 : index
    %get3A_389 = arith.constant 0 : index
    %get3A_390 = vector.load %arg3[%get3A_388, %get3A_389] : memref<8192x1xf32, #tpu.memory_space<vmem>>, vector<128x1xf32>
    %add3A_391 = vector.broadcast %mul3A_6 : vector<1x1024xf32> to vector<128x1024xf32>
    %add3A_392 = vector.broadcast %get3A_390 : vector<128x1xf32> to vector<128x1024xf32>
    %add3A_393 = arith.addf %add3A_391, %add3A_392 : vector<128x1024xf32>
    %slice3A_394 = vector.extract_strided_slice %dot_general3A_335 {offsets = [512, 0], sizes = [128, 1024], strides = [1, 1]} : vector<1024x1024xf32> to vector<128x1024xf32>
    %sub3A_395 = arith.subf %add3A_393, %slice3A_394 : vector<128x1024xf32>
    %lt3A_396 = arith.cmpf olt, %sub3A_395, %select_n3A_384 : vector<128x1024xf32>
    %select_n3A_397 = arith.select %lt3A_396, %sub3A_395, %select_n3A_384 : vector<128x1024xi1>, vector<128x1024xf32>
    %jit3A_398 = arith.constant 28 : i32
    %broadcast_in_dim3A_399 = vector.broadcast %jit3A_398 : i32 to vector<128x1024xi32>
    %select_n3A_400 = arith.select %lt3A_396, %broadcast_in_dim3A_399, %select_n3A_387 : vector<128x1024xi1>, vector<128x1024xi32>
    %get3A_401 = arith.constant 3712 : index
    %get3A_402 = arith.constant 0 : index
    %get3A_403 = vector.load %arg3[%get3A_401, %get3A_402] : memref<8192x1xf32, #tpu.memory_space<vmem>>, vector<128x1xf32>
    %add3A_404 = vector.broadcast %mul3A_6 : vector<1x1024xf32> to vector<128x1024xf32>
    %add3A_405 = vector.broadcast %get3A_403 : vector<128x1xf32> to vector<128x1024xf32>
    %add3A_406 = arith.addf %add3A_404, %add3A_405 : vector<128x1024xf32>
    %slice3A_407 = vector.extract_strided_slice %dot_general3A_335 {offsets = [640, 0], sizes = [128, 1024], strides = [1, 1]} : vector<1024x1024xf32> to vector<128x1024xf32>
    %sub3A_408 = arith.subf %add3A_406, %slice3A_407 : vector<128x1024xf32>
    %lt3A_409 = arith.cmpf olt, %sub3A_408, %select_n3A_397 : vector<128x1024xf32>
    %select_n3A_410 = arith.select %lt3A_409, %sub3A_408, %select_n3A_397 : vector<128x1024xi1>, vector<128x1024xf32>
    %jit3A_411 = arith.constant 29 : i32
    %broadcast_in_dim3A_412 = vector.broadcast %jit3A_411 : i32 to vector<128x1024xi32>
    %select_n3A_413 = arith.select %lt3A_409, %broadcast_in_dim3A_412, %select_n3A_400 : vector<128x1024xi1>, vector<128x1024xi32>
    %get3A_414 = arith.constant 3840 : index
    %get3A_415 = arith.constant 0 : index
    %get3A_416 = vector.load %arg3[%get3A_414, %get3A_415] : memref<8192x1xf32, #tpu.memory_space<vmem>>, vector<128x1xf32>
    %add3A_417 = vector.broadcast %mul3A_6 : vector<1x1024xf32> to vector<128x1024xf32>
    %add3A_418 = vector.broadcast %get3A_416 : vector<128x1xf32> to vector<128x1024xf32>
    %add3A_419 = arith.addf %add3A_417, %add3A_418 : vector<128x1024xf32>
    %slice3A_420 = vector.extract_strided_slice %dot_general3A_335 {offsets = [768, 0], sizes = [128, 1024], strides = [1, 1]} : vector<1024x1024xf32> to vector<128x1024xf32>
    %sub3A_421 = arith.subf %add3A_419, %slice3A_420 : vector<128x1024xf32>
    %lt3A_422 = arith.cmpf olt, %sub3A_421, %select_n3A_410 : vector<128x1024xf32>
    %select_n3A_423 = arith.select %lt3A_422, %sub3A_421, %select_n3A_410 : vector<128x1024xi1>, vector<128x1024xf32>
    %jit3A_424 = arith.constant 30 : i32
    %broadcast_in_dim3A_425 = vector.broadcast %jit3A_424 : i32 to vector<128x1024xi32>
    %select_n3A_426 = arith.select %lt3A_422, %broadcast_in_dim3A_425, %select_n3A_413 : vector<128x1024xi1>, vector<128x1024xi32>
    %get3A_427 = arith.constant 3968 : index
    %get3A_428 = arith.constant 0 : index
    %get3A_429 = vector.load %arg3[%get3A_427, %get3A_428] : memref<8192x1xf32, #tpu.memory_space<vmem>>, vector<128x1xf32>
    %add3A_430 = vector.broadcast %mul3A_6 : vector<1x1024xf32> to vector<128x1024xf32>
    %add3A_431 = vector.broadcast %get3A_429 : vector<128x1xf32> to vector<128x1024xf32>
    %add3A_432 = arith.addf %add3A_430, %add3A_431 : vector<128x1024xf32>
    %slice3A_433 = vector.extract_strided_slice %dot_general3A_335 {offsets = [896, 0], sizes = [128, 1024], strides = [1, 1]} : vector<1024x1024xf32> to vector<128x1024xf32>
    %sub3A_434 = arith.subf %add3A_432, %slice3A_433 : vector<128x1024xf32>
    %lt3A_435 = arith.cmpf olt, %sub3A_434, %select_n3A_423 : vector<128x1024xf32>
    %select_n3A_436 = arith.select %lt3A_435, %sub3A_434, %select_n3A_423 : vector<128x1024xi1>, vector<128x1024xf32>
    %jit3A_437 = arith.constant 31 : i32
    %broadcast_in_dim3A_438 = vector.broadcast %jit3A_437 : i32 to vector<128x1024xi32>
    %select_n3A_439 = arith.select %lt3A_435, %broadcast_in_dim3A_438, %select_n3A_426 : vector<128x1024xi1>, vector<128x1024xi32>
    %get3A_440 = arith.constant 4096 : index
    %get3A_441 = arith.constant 0 : index
    %get3A_442 = vector.load %arg2[%get3A_440, %get3A_441] : memref<8192x32xf32, #tpu.memory_space<vmem>>, vector<1024x32xf32>
    %dot_general3A_443 = arith.constant dense<0.000000e+00> : vector<1024x1024xf32>
    %dot_general3A_444 = tpu.matmul %get3A_442, %reshape3A, %dot_general3A_443 {dimension_numbers = #tpu.dot_dimension_numbers<[1], [0], [0], [1], [0, 0, 1, 1], [], []>, transpose_lhs_hint = false} : vector<1024x32xf32>, vector<32x1024xf32>, vector<1024x1024xf32> -> vector<1024x1024xf32>
    %get3A_445 = arith.constant 4096 : index
    %get3A_446 = arith.constant 0 : index
    %get3A_447 = vector.load %arg3[%get3A_445, %get3A_446] : memref<8192x1xf32, #tpu.memory_space<vmem>>, vector<128x1xf32>
    %add3A_448 = vector.broadcast %mul3A_6 : vector<1x1024xf32> to vector<128x1024xf32>
    %add3A_449 = vector.broadcast %get3A_447 : vector<128x1xf32> to vector<128x1024xf32>
    %add3A_450 = arith.addf %add3A_448, %add3A_449 : vector<128x1024xf32>
    %slice3A_451 = vector.extract_strided_slice %dot_general3A_444 {offsets = [0, 0], sizes = [128, 1024], strides = [1, 1]} : vector<1024x1024xf32> to vector<128x1024xf32>
    %sub3A_452 = arith.subf %add3A_450, %slice3A_451 : vector<128x1024xf32>
    %lt3A_453 = arith.cmpf olt, %sub3A_452, %select_n3A_436 : vector<128x1024xf32>
    %select_n3A_454 = arith.select %lt3A_453, %sub3A_452, %select_n3A_436 : vector<128x1024xi1>, vector<128x1024xf32>
    %jit3A_455 = arith.constant 32 : i32
    %broadcast_in_dim3A_456 = vector.broadcast %jit3A_455 : i32 to vector<128x1024xi32>
    %select_n3A_457 = arith.select %lt3A_453, %broadcast_in_dim3A_456, %select_n3A_439 : vector<128x1024xi1>, vector<128x1024xi32>
    %get3A_458 = arith.constant 4224 : index
    %get3A_459 = arith.constant 0 : index
    %get3A_460 = vector.load %arg3[%get3A_458, %get3A_459] : memref<8192x1xf32, #tpu.memory_space<vmem>>, vector<128x1xf32>
    %add3A_461 = vector.broadcast %mul3A_6 : vector<1x1024xf32> to vector<128x1024xf32>
    %add3A_462 = vector.broadcast %get3A_460 : vector<128x1xf32> to vector<128x1024xf32>
    %add3A_463 = arith.addf %add3A_461, %add3A_462 : vector<128x1024xf32>
    %slice3A_464 = vector.extract_strided_slice %dot_general3A_444 {offsets = [128, 0], sizes = [128, 1024], strides = [1, 1]} : vector<1024x1024xf32> to vector<128x1024xf32>
    %sub3A_465 = arith.subf %add3A_463, %slice3A_464 : vector<128x1024xf32>
    %lt3A_466 = arith.cmpf olt, %sub3A_465, %select_n3A_454 : vector<128x1024xf32>
    %select_n3A_467 = arith.select %lt3A_466, %sub3A_465, %select_n3A_454 : vector<128x1024xi1>, vector<128x1024xf32>
    %jit3A_468 = arith.constant 33 : i32
    %broadcast_in_dim3A_469 = vector.broadcast %jit3A_468 : i32 to vector<128x1024xi32>
    %select_n3A_470 = arith.select %lt3A_466, %broadcast_in_dim3A_469, %select_n3A_457 : vector<128x1024xi1>, vector<128x1024xi32>
    %get3A_471 = arith.constant 4352 : index
    %get3A_472 = arith.constant 0 : index
    %get3A_473 = vector.load %arg3[%get3A_471, %get3A_472] : memref<8192x1xf32, #tpu.memory_space<vmem>>, vector<128x1xf32>
    %add3A_474 = vector.broadcast %mul3A_6 : vector<1x1024xf32> to vector<128x1024xf32>
    %add3A_475 = vector.broadcast %get3A_473 : vector<128x1xf32> to vector<128x1024xf32>
    %add3A_476 = arith.addf %add3A_474, %add3A_475 : vector<128x1024xf32>
    %slice3A_477 = vector.extract_strided_slice %dot_general3A_444 {offsets = [256, 0], sizes = [128, 1024], strides = [1, 1]} : vector<1024x1024xf32> to vector<128x1024xf32>
    %sub3A_478 = arith.subf %add3A_476, %slice3A_477 : vector<128x1024xf32>
    %lt3A_479 = arith.cmpf olt, %sub3A_478, %select_n3A_467 : vector<128x1024xf32>
    %select_n3A_480 = arith.select %lt3A_479, %sub3A_478, %select_n3A_467 : vector<128x1024xi1>, vector<128x1024xf32>
    %jit3A_481 = arith.constant 34 : i32
    %broadcast_in_dim3A_482 = vector.broadcast %jit3A_481 : i32 to vector<128x1024xi32>
    %select_n3A_483 = arith.select %lt3A_479, %broadcast_in_dim3A_482, %select_n3A_470 : vector<128x1024xi1>, vector<128x1024xi32>
    %get3A_484 = arith.constant 4480 : index
    %get3A_485 = arith.constant 0 : index
    %get3A_486 = vector.load %arg3[%get3A_484, %get3A_485] : memref<8192x1xf32, #tpu.memory_space<vmem>>, vector<128x1xf32>
    %add3A_487 = vector.broadcast %mul3A_6 : vector<1x1024xf32> to vector<128x1024xf32>
    %add3A_488 = vector.broadcast %get3A_486 : vector<128x1xf32> to vector<128x1024xf32>
    %add3A_489 = arith.addf %add3A_487, %add3A_488 : vector<128x1024xf32>
    %slice3A_490 = vector.extract_strided_slice %dot_general3A_444 {offsets = [384, 0], sizes = [128, 1024], strides = [1, 1]} : vector<1024x1024xf32> to vector<128x1024xf32>
    %sub3A_491 = arith.subf %add3A_489, %slice3A_490 : vector<128x1024xf32>
    %lt3A_492 = arith.cmpf olt, %sub3A_491, %select_n3A_480 : vector<128x1024xf32>
    %select_n3A_493 = arith.select %lt3A_492, %sub3A_491, %select_n3A_480 : vector<128x1024xi1>, vector<128x1024xf32>
    %jit3A_494 = arith.constant 35 : i32
    %broadcast_in_dim3A_495 = vector.broadcast %jit3A_494 : i32 to vector<128x1024xi32>
    %select_n3A_496 = arith.select %lt3A_492, %broadcast_in_dim3A_495, %select_n3A_483 : vector<128x1024xi1>, vector<128x1024xi32>
    %get3A_497 = arith.constant 4608 : index
    %get3A_498 = arith.constant 0 : index
    %get3A_499 = vector.load %arg3[%get3A_497, %get3A_498] : memref<8192x1xf32, #tpu.memory_space<vmem>>, vector<128x1xf32>
    %add3A_500 = vector.broadcast %mul3A_6 : vector<1x1024xf32> to vector<128x1024xf32>
    %add3A_501 = vector.broadcast %get3A_499 : vector<128x1xf32> to vector<128x1024xf32>
    %add3A_502 = arith.addf %add3A_500, %add3A_501 : vector<128x1024xf32>
    %slice3A_503 = vector.extract_strided_slice %dot_general3A_444 {offsets = [512, 0], sizes = [128, 1024], strides = [1, 1]} : vector<1024x1024xf32> to vector<128x1024xf32>
    %sub3A_504 = arith.subf %add3A_502, %slice3A_503 : vector<128x1024xf32>
    %lt3A_505 = arith.cmpf olt, %sub3A_504, %select_n3A_493 : vector<128x1024xf32>
    %select_n3A_506 = arith.select %lt3A_505, %sub3A_504, %select_n3A_493 : vector<128x1024xi1>, vector<128x1024xf32>
    %jit3A_507 = arith.constant 36 : i32
    %broadcast_in_dim3A_508 = vector.broadcast %jit3A_507 : i32 to vector<128x1024xi32>
    %select_n3A_509 = arith.select %lt3A_505, %broadcast_in_dim3A_508, %select_n3A_496 : vector<128x1024xi1>, vector<128x1024xi32>
    %get3A_510 = arith.constant 4736 : index
    %get3A_511 = arith.constant 0 : index
    %get3A_512 = vector.load %arg3[%get3A_510, %get3A_511] : memref<8192x1xf32, #tpu.memory_space<vmem>>, vector<128x1xf32>
    %add3A_513 = vector.broadcast %mul3A_6 : vector<1x1024xf32> to vector<128x1024xf32>
    %add3A_514 = vector.broadcast %get3A_512 : vector<128x1xf32> to vector<128x1024xf32>
    %add3A_515 = arith.addf %add3A_513, %add3A_514 : vector<128x1024xf32>
    %slice3A_516 = vector.extract_strided_slice %dot_general3A_444 {offsets = [640, 0], sizes = [128, 1024], strides = [1, 1]} : vector<1024x1024xf32> to vector<128x1024xf32>
    %sub3A_517 = arith.subf %add3A_515, %slice3A_516 : vector<128x1024xf32>
    %lt3A_518 = arith.cmpf olt, %sub3A_517, %select_n3A_506 : vector<128x1024xf32>
    %select_n3A_519 = arith.select %lt3A_518, %sub3A_517, %select_n3A_506 : vector<128x1024xi1>, vector<128x1024xf32>
    %jit3A_520 = arith.constant 37 : i32
    %broadcast_in_dim3A_521 = vector.broadcast %jit3A_520 : i32 to vector<128x1024xi32>
    %select_n3A_522 = arith.select %lt3A_518, %broadcast_in_dim3A_521, %select_n3A_509 : vector<128x1024xi1>, vector<128x1024xi32>
    %get3A_523 = arith.constant 4864 : index
    %get3A_524 = arith.constant 0 : index
    %get3A_525 = vector.load %arg3[%get3A_523, %get3A_524] : memref<8192x1xf32, #tpu.memory_space<vmem>>, vector<128x1xf32>
    %add3A_526 = vector.broadcast %mul3A_6 : vector<1x1024xf32> to vector<128x1024xf32>
    %add3A_527 = vector.broadcast %get3A_525 : vector<128x1xf32> to vector<128x1024xf32>
    %add3A_528 = arith.addf %add3A_526, %add3A_527 : vector<128x1024xf32>
    %slice3A_529 = vector.extract_strided_slice %dot_general3A_444 {offsets = [768, 0], sizes = [128, 1024], strides = [1, 1]} : vector<1024x1024xf32> to vector<128x1024xf32>
    %sub3A_530 = arith.subf %add3A_528, %slice3A_529 : vector<128x1024xf32>
    %lt3A_531 = arith.cmpf olt, %sub3A_530, %select_n3A_519 : vector<128x1024xf32>
    %select_n3A_532 = arith.select %lt3A_531, %sub3A_530, %select_n3A_519 : vector<128x1024xi1>, vector<128x1024xf32>
    %jit3A_533 = arith.constant 38 : i32
    %broadcast_in_dim3A_534 = vector.broadcast %jit3A_533 : i32 to vector<128x1024xi32>
    %select_n3A_535 = arith.select %lt3A_531, %broadcast_in_dim3A_534, %select_n3A_522 : vector<128x1024xi1>, vector<128x1024xi32>
    %get3A_536 = arith.constant 4992 : index
    %get3A_537 = arith.constant 0 : index
    %get3A_538 = vector.load %arg3[%get3A_536, %get3A_537] : memref<8192x1xf32, #tpu.memory_space<vmem>>, vector<128x1xf32>
    %add3A_539 = vector.broadcast %mul3A_6 : vector<1x1024xf32> to vector<128x1024xf32>
    %add3A_540 = vector.broadcast %get3A_538 : vector<128x1xf32> to vector<128x1024xf32>
    %add3A_541 = arith.addf %add3A_539, %add3A_540 : vector<128x1024xf32>
    %slice3A_542 = vector.extract_strided_slice %dot_general3A_444 {offsets = [896, 0], sizes = [128, 1024], strides = [1, 1]} : vector<1024x1024xf32> to vector<128x1024xf32>
    %sub3A_543 = arith.subf %add3A_541, %slice3A_542 : vector<128x1024xf32>
    %lt3A_544 = arith.cmpf olt, %sub3A_543, %select_n3A_532 : vector<128x1024xf32>
    %select_n3A_545 = arith.select %lt3A_544, %sub3A_543, %select_n3A_532 : vector<128x1024xi1>, vector<128x1024xf32>
    %jit3A_546 = arith.constant 39 : i32
    %broadcast_in_dim3A_547 = vector.broadcast %jit3A_546 : i32 to vector<128x1024xi32>
    %select_n3A_548 = arith.select %lt3A_544, %broadcast_in_dim3A_547, %select_n3A_535 : vector<128x1024xi1>, vector<128x1024xi32>
    %get3A_549 = arith.constant 5120 : index
    %get3A_550 = arith.constant 0 : index
    %get3A_551 = vector.load %arg2[%get3A_549, %get3A_550] : memref<8192x32xf32, #tpu.memory_space<vmem>>, vector<1024x32xf32>
    %dot_general3A_552 = arith.constant dense<0.000000e+00> : vector<1024x1024xf32>
    %dot_general3A_553 = tpu.matmul %get3A_551, %reshape3A, %dot_general3A_552 {dimension_numbers = #tpu.dot_dimension_numbers<[1], [0], [0], [1], [0, 0, 1, 1], [], []>, transpose_lhs_hint = false} : vector<1024x32xf32>, vector<32x1024xf32>, vector<1024x1024xf32> -> vector<1024x1024xf32>
    %get3A_554 = arith.constant 5120 : index
    %get3A_555 = arith.constant 0 : index
    %get3A_556 = vector.load %arg3[%get3A_554, %get3A_555] : memref<8192x1xf32, #tpu.memory_space<vmem>>, vector<128x1xf32>
    %add3A_557 = vector.broadcast %mul3A_6 : vector<1x1024xf32> to vector<128x1024xf32>
    %add3A_558 = vector.broadcast %get3A_556 : vector<128x1xf32> to vector<128x1024xf32>
    %add3A_559 = arith.addf %add3A_557, %add3A_558 : vector<128x1024xf32>
    %slice3A_560 = vector.extract_strided_slice %dot_general3A_553 {offsets = [0, 0], sizes = [128, 1024], strides = [1, 1]} : vector<1024x1024xf32> to vector<128x1024xf32>
    %sub3A_561 = arith.subf %add3A_559, %slice3A_560 : vector<128x1024xf32>
    %lt3A_562 = arith.cmpf olt, %sub3A_561, %select_n3A_545 : vector<128x1024xf32>
    %select_n3A_563 = arith.select %lt3A_562, %sub3A_561, %select_n3A_545 : vector<128x1024xi1>, vector<128x1024xf32>
    %jit3A_564 = arith.constant 40 : i32
    %broadcast_in_dim3A_565 = vector.broadcast %jit3A_564 : i32 to vector<128x1024xi32>
    %select_n3A_566 = arith.select %lt3A_562, %broadcast_in_dim3A_565, %select_n3A_548 : vector<128x1024xi1>, vector<128x1024xi32>
    %get3A_567 = arith.constant 5248 : index
    %get3A_568 = arith.constant 0 : index
    %get3A_569 = vector.load %arg3[%get3A_567, %get3A_568] : memref<8192x1xf32, #tpu.memory_space<vmem>>, vector<128x1xf32>
    %add3A_570 = vector.broadcast %mul3A_6 : vector<1x1024xf32> to vector<128x1024xf32>
    %add3A_571 = vector.broadcast %get3A_569 : vector<128x1xf32> to vector<128x1024xf32>
    %add3A_572 = arith.addf %add3A_570, %add3A_571 : vector<128x1024xf32>
    %slice3A_573 = vector.extract_strided_slice %dot_general3A_553 {offsets = [128, 0], sizes = [128, 1024], strides = [1, 1]} : vector<1024x1024xf32> to vector<128x1024xf32>
    %sub3A_574 = arith.subf %add3A_572, %slice3A_573 : vector<128x1024xf32>
    %lt3A_575 = arith.cmpf olt, %sub3A_574, %select_n3A_563 : vector<128x1024xf32>
    %select_n3A_576 = arith.select %lt3A_575, %sub3A_574, %select_n3A_563 : vector<128x1024xi1>, vector<128x1024xf32>
    %jit3A_577 = arith.constant 41 : i32
    %broadcast_in_dim3A_578 = vector.broadcast %jit3A_577 : i32 to vector<128x1024xi32>
    %select_n3A_579 = arith.select %lt3A_575, %broadcast_in_dim3A_578, %select_n3A_566 : vector<128x1024xi1>, vector<128x1024xi32>
    %get3A_580 = arith.constant 5376 : index
    %get3A_581 = arith.constant 0 : index
    %get3A_582 = vector.load %arg3[%get3A_580, %get3A_581] : memref<8192x1xf32, #tpu.memory_space<vmem>>, vector<128x1xf32>
    %add3A_583 = vector.broadcast %mul3A_6 : vector<1x1024xf32> to vector<128x1024xf32>
    %add3A_584 = vector.broadcast %get3A_582 : vector<128x1xf32> to vector<128x1024xf32>
    %add3A_585 = arith.addf %add3A_583, %add3A_584 : vector<128x1024xf32>
    %slice3A_586 = vector.extract_strided_slice %dot_general3A_553 {offsets = [256, 0], sizes = [128, 1024], strides = [1, 1]} : vector<1024x1024xf32> to vector<128x1024xf32>
    %sub3A_587 = arith.subf %add3A_585, %slice3A_586 : vector<128x1024xf32>
    %lt3A_588 = arith.cmpf olt, %sub3A_587, %select_n3A_576 : vector<128x1024xf32>
    %select_n3A_589 = arith.select %lt3A_588, %sub3A_587, %select_n3A_576 : vector<128x1024xi1>, vector<128x1024xf32>
    %jit3A_590 = arith.constant 42 : i32
    %broadcast_in_dim3A_591 = vector.broadcast %jit3A_590 : i32 to vector<128x1024xi32>
    %select_n3A_592 = arith.select %lt3A_588, %broadcast_in_dim3A_591, %select_n3A_579 : vector<128x1024xi1>, vector<128x1024xi32>
    %get3A_593 = arith.constant 5504 : index
    %get3A_594 = arith.constant 0 : index
    %get3A_595 = vector.load %arg3[%get3A_593, %get3A_594] : memref<8192x1xf32, #tpu.memory_space<vmem>>, vector<128x1xf32>
    %add3A_596 = vector.broadcast %mul3A_6 : vector<1x1024xf32> to vector<128x1024xf32>
    %add3A_597 = vector.broadcast %get3A_595 : vector<128x1xf32> to vector<128x1024xf32>
    %add3A_598 = arith.addf %add3A_596, %add3A_597 : vector<128x1024xf32>
    %slice3A_599 = vector.extract_strided_slice %dot_general3A_553 {offsets = [384, 0], sizes = [128, 1024], strides = [1, 1]} : vector<1024x1024xf32> to vector<128x1024xf32>
    %sub3A_600 = arith.subf %add3A_598, %slice3A_599 : vector<128x1024xf32>
    %lt3A_601 = arith.cmpf olt, %sub3A_600, %select_n3A_589 : vector<128x1024xf32>
    %select_n3A_602 = arith.select %lt3A_601, %sub3A_600, %select_n3A_589 : vector<128x1024xi1>, vector<128x1024xf32>
    %jit3A_603 = arith.constant 43 : i32
    %broadcast_in_dim3A_604 = vector.broadcast %jit3A_603 : i32 to vector<128x1024xi32>
    %select_n3A_605 = arith.select %lt3A_601, %broadcast_in_dim3A_604, %select_n3A_592 : vector<128x1024xi1>, vector<128x1024xi32>
    %get3A_606 = arith.constant 5632 : index
    %get3A_607 = arith.constant 0 : index
    %get3A_608 = vector.load %arg3[%get3A_606, %get3A_607] : memref<8192x1xf32, #tpu.memory_space<vmem>>, vector<128x1xf32>
    %add3A_609 = vector.broadcast %mul3A_6 : vector<1x1024xf32> to vector<128x1024xf32>
    %add3A_610 = vector.broadcast %get3A_608 : vector<128x1xf32> to vector<128x1024xf32>
    %add3A_611 = arith.addf %add3A_609, %add3A_610 : vector<128x1024xf32>
    %slice3A_612 = vector.extract_strided_slice %dot_general3A_553 {offsets = [512, 0], sizes = [128, 1024], strides = [1, 1]} : vector<1024x1024xf32> to vector<128x1024xf32>
    %sub3A_613 = arith.subf %add3A_611, %slice3A_612 : vector<128x1024xf32>
    %lt3A_614 = arith.cmpf olt, %sub3A_613, %select_n3A_602 : vector<128x1024xf32>
    %select_n3A_615 = arith.select %lt3A_614, %sub3A_613, %select_n3A_602 : vector<128x1024xi1>, vector<128x1024xf32>
    %jit3A_616 = arith.constant 44 : i32
    %broadcast_in_dim3A_617 = vector.broadcast %jit3A_616 : i32 to vector<128x1024xi32>
    %select_n3A_618 = arith.select %lt3A_614, %broadcast_in_dim3A_617, %select_n3A_605 : vector<128x1024xi1>, vector<128x1024xi32>
    %get3A_619 = arith.constant 5760 : index
    %get3A_620 = arith.constant 0 : index
    %get3A_621 = vector.load %arg3[%get3A_619, %get3A_620] : memref<8192x1xf32, #tpu.memory_space<vmem>>, vector<128x1xf32>
    %add3A_622 = vector.broadcast %mul3A_6 : vector<1x1024xf32> to vector<128x1024xf32>
    %add3A_623 = vector.broadcast %get3A_621 : vector<128x1xf32> to vector<128x1024xf32>
    %add3A_624 = arith.addf %add3A_622, %add3A_623 : vector<128x1024xf32>
    %slice3A_625 = vector.extract_strided_slice %dot_general3A_553 {offsets = [640, 0], sizes = [128, 1024], strides = [1, 1]} : vector<1024x1024xf32> to vector<128x1024xf32>
    %sub3A_626 = arith.subf %add3A_624, %slice3A_625 : vector<128x1024xf32>
    %lt3A_627 = arith.cmpf olt, %sub3A_626, %select_n3A_615 : vector<128x1024xf32>
    %select_n3A_628 = arith.select %lt3A_627, %sub3A_626, %select_n3A_615 : vector<128x1024xi1>, vector<128x1024xf32>
    %jit3A_629 = arith.constant 45 : i32
    %broadcast_in_dim3A_630 = vector.broadcast %jit3A_629 : i32 to vector<128x1024xi32>
    %select_n3A_631 = arith.select %lt3A_627, %broadcast_in_dim3A_630, %select_n3A_618 : vector<128x1024xi1>, vector<128x1024xi32>
    %get3A_632 = arith.constant 5888 : index
    %get3A_633 = arith.constant 0 : index
    %get3A_634 = vector.load %arg3[%get3A_632, %get3A_633] : memref<8192x1xf32, #tpu.memory_space<vmem>>, vector<128x1xf32>
    %add3A_635 = vector.broadcast %mul3A_6 : vector<1x1024xf32> to vector<128x1024xf32>
    %add3A_636 = vector.broadcast %get3A_634 : vector<128x1xf32> to vector<128x1024xf32>
    %add3A_637 = arith.addf %add3A_635, %add3A_636 : vector<128x1024xf32>
    %slice3A_638 = vector.extract_strided_slice %dot_general3A_553 {offsets = [768, 0], sizes = [128, 1024], strides = [1, 1]} : vector<1024x1024xf32> to vector<128x1024xf32>
    %sub3A_639 = arith.subf %add3A_637, %slice3A_638 : vector<128x1024xf32>
    %lt3A_640 = arith.cmpf olt, %sub3A_639, %select_n3A_628 : vector<128x1024xf32>
    %select_n3A_641 = arith.select %lt3A_640, %sub3A_639, %select_n3A_628 : vector<128x1024xi1>, vector<128x1024xf32>
    %jit3A_642 = arith.constant 46 : i32
    %broadcast_in_dim3A_643 = vector.broadcast %jit3A_642 : i32 to vector<128x1024xi32>
    %select_n3A_644 = arith.select %lt3A_640, %broadcast_in_dim3A_643, %select_n3A_631 : vector<128x1024xi1>, vector<128x1024xi32>
    %get3A_645 = arith.constant 6016 : index
    %get3A_646 = arith.constant 0 : index
    %get3A_647 = vector.load %arg3[%get3A_645, %get3A_646] : memref<8192x1xf32, #tpu.memory_space<vmem>>, vector<128x1xf32>
    %add3A_648 = vector.broadcast %mul3A_6 : vector<1x1024xf32> to vector<128x1024xf32>
    %add3A_649 = vector.broadcast %get3A_647 : vector<128x1xf32> to vector<128x1024xf32>
    %add3A_650 = arith.addf %add3A_648, %add3A_649 : vector<128x1024xf32>
    %slice3A_651 = vector.extract_strided_slice %dot_general3A_553 {offsets = [896, 0], sizes = [128, 1024], strides = [1, 1]} : vector<1024x1024xf32> to vector<128x1024xf32>
    %sub3A_652 = arith.subf %add3A_650, %slice3A_651 : vector<128x1024xf32>
    %lt3A_653 = arith.cmpf olt, %sub3A_652, %select_n3A_641 : vector<128x1024xf32>
    %select_n3A_654 = arith.select %lt3A_653, %sub3A_652, %select_n3A_641 : vector<128x1024xi1>, vector<128x1024xf32>
    %jit3A_655 = arith.constant 47 : i32
    %broadcast_in_dim3A_656 = vector.broadcast %jit3A_655 : i32 to vector<128x1024xi32>
    %select_n3A_657 = arith.select %lt3A_653, %broadcast_in_dim3A_656, %select_n3A_644 : vector<128x1024xi1>, vector<128x1024xi32>
    %get3A_658 = arith.constant 6144 : index
    %get3A_659 = arith.constant 0 : index
    %get3A_660 = vector.load %arg2[%get3A_658, %get3A_659] : memref<8192x32xf32, #tpu.memory_space<vmem>>, vector<1024x32xf32>
    %dot_general3A_661 = arith.constant dense<0.000000e+00> : vector<1024x1024xf32>
    %dot_general3A_662 = tpu.matmul %get3A_660, %reshape3A, %dot_general3A_661 {dimension_numbers = #tpu.dot_dimension_numbers<[1], [0], [0], [1], [0, 0, 1, 1], [], []>, transpose_lhs_hint = false} : vector<1024x32xf32>, vector<32x1024xf32>, vector<1024x1024xf32> -> vector<1024x1024xf32>
    %get3A_663 = arith.constant 6144 : index
    %get3A_664 = arith.constant 0 : index
    %get3A_665 = vector.load %arg3[%get3A_663, %get3A_664] : memref<8192x1xf32, #tpu.memory_space<vmem>>, vector<128x1xf32>
    %add3A_666 = vector.broadcast %mul3A_6 : vector<1x1024xf32> to vector<128x1024xf32>
    %add3A_667 = vector.broadcast %get3A_665 : vector<128x1xf32> to vector<128x1024xf32>
    %add3A_668 = arith.addf %add3A_666, %add3A_667 : vector<128x1024xf32>
    %slice3A_669 = vector.extract_strided_slice %dot_general3A_662 {offsets = [0, 0], sizes = [128, 1024], strides = [1, 1]} : vector<1024x1024xf32> to vector<128x1024xf32>
    %sub3A_670 = arith.subf %add3A_668, %slice3A_669 : vector<128x1024xf32>
    %lt3A_671 = arith.cmpf olt, %sub3A_670, %select_n3A_654 : vector<128x1024xf32>
    %select_n3A_672 = arith.select %lt3A_671, %sub3A_670, %select_n3A_654 : vector<128x1024xi1>, vector<128x1024xf32>
    %jit3A_673 = arith.constant 48 : i32
    %broadcast_in_dim3A_674 = vector.broadcast %jit3A_673 : i32 to vector<128x1024xi32>
    %select_n3A_675 = arith.select %lt3A_671, %broadcast_in_dim3A_674, %select_n3A_657 : vector<128x1024xi1>, vector<128x1024xi32>
    %get3A_676 = arith.constant 6272 : index
    %get3A_677 = arith.constant 0 : index
    %get3A_678 = vector.load %arg3[%get3A_676, %get3A_677] : memref<8192x1xf32, #tpu.memory_space<vmem>>, vector<128x1xf32>
    %add3A_679 = vector.broadcast %mul3A_6 : vector<1x1024xf32> to vector<128x1024xf32>
    %add3A_680 = vector.broadcast %get3A_678 : vector<128x1xf32> to vector<128x1024xf32>
    %add3A_681 = arith.addf %add3A_679, %add3A_680 : vector<128x1024xf32>
    %slice3A_682 = vector.extract_strided_slice %dot_general3A_662 {offsets = [128, 0], sizes = [128, 1024], strides = [1, 1]} : vector<1024x1024xf32> to vector<128x1024xf32>
    %sub3A_683 = arith.subf %add3A_681, %slice3A_682 : vector<128x1024xf32>
    %lt3A_684 = arith.cmpf olt, %sub3A_683, %select_n3A_672 : vector<128x1024xf32>
    %select_n3A_685 = arith.select %lt3A_684, %sub3A_683, %select_n3A_672 : vector<128x1024xi1>, vector<128x1024xf32>
    %jit3A_686 = arith.constant 49 : i32
    %broadcast_in_dim3A_687 = vector.broadcast %jit3A_686 : i32 to vector<128x1024xi32>
    %select_n3A_688 = arith.select %lt3A_684, %broadcast_in_dim3A_687, %select_n3A_675 : vector<128x1024xi1>, vector<128x1024xi32>
    %get3A_689 = arith.constant 6400 : index
    %get3A_690 = arith.constant 0 : index
    %get3A_691 = vector.load %arg3[%get3A_689, %get3A_690] : memref<8192x1xf32, #tpu.memory_space<vmem>>, vector<128x1xf32>
    %add3A_692 = vector.broadcast %mul3A_6 : vector<1x1024xf32> to vector<128x1024xf32>
    %add3A_693 = vector.broadcast %get3A_691 : vector<128x1xf32> to vector<128x1024xf32>
    %add3A_694 = arith.addf %add3A_692, %add3A_693 : vector<128x1024xf32>
    %slice3A_695 = vector.extract_strided_slice %dot_general3A_662 {offsets = [256, 0], sizes = [128, 1024], strides = [1, 1]} : vector<1024x1024xf32> to vector<128x1024xf32>
    %sub3A_696 = arith.subf %add3A_694, %slice3A_695 : vector<128x1024xf32>
    %lt3A_697 = arith.cmpf olt, %sub3A_696, %select_n3A_685 : vector<128x1024xf32>
    %select_n3A_698 = arith.select %lt3A_697, %sub3A_696, %select_n3A_685 : vector<128x1024xi1>, vector<128x1024xf32>
    %jit3A_699 = arith.constant 50 : i32
    %broadcast_in_dim3A_700 = vector.broadcast %jit3A_699 : i32 to vector<128x1024xi32>
    %select_n3A_701 = arith.select %lt3A_697, %broadcast_in_dim3A_700, %select_n3A_688 : vector<128x1024xi1>, vector<128x1024xi32>
    %get3A_702 = arith.constant 6528 : index
    %get3A_703 = arith.constant 0 : index
    %get3A_704 = vector.load %arg3[%get3A_702, %get3A_703] : memref<8192x1xf32, #tpu.memory_space<vmem>>, vector<128x1xf32>
    %add3A_705 = vector.broadcast %mul3A_6 : vector<1x1024xf32> to vector<128x1024xf32>
    %add3A_706 = vector.broadcast %get3A_704 : vector<128x1xf32> to vector<128x1024xf32>
    %add3A_707 = arith.addf %add3A_705, %add3A_706 : vector<128x1024xf32>
    %slice3A_708 = vector.extract_strided_slice %dot_general3A_662 {offsets = [384, 0], sizes = [128, 1024], strides = [1, 1]} : vector<1024x1024xf32> to vector<128x1024xf32>
    %sub3A_709 = arith.subf %add3A_707, %slice3A_708 : vector<128x1024xf32>
    %lt3A_710 = arith.cmpf olt, %sub3A_709, %select_n3A_698 : vector<128x1024xf32>
    %select_n3A_711 = arith.select %lt3A_710, %sub3A_709, %select_n3A_698 : vector<128x1024xi1>, vector<128x1024xf32>
    %jit3A_712 = arith.constant 51 : i32
    %broadcast_in_dim3A_713 = vector.broadcast %jit3A_712 : i32 to vector<128x1024xi32>
    %select_n3A_714 = arith.select %lt3A_710, %broadcast_in_dim3A_713, %select_n3A_701 : vector<128x1024xi1>, vector<128x1024xi32>
    %get3A_715 = arith.constant 6656 : index
    %get3A_716 = arith.constant 0 : index
    %get3A_717 = vector.load %arg3[%get3A_715, %get3A_716] : memref<8192x1xf32, #tpu.memory_space<vmem>>, vector<128x1xf32>
    %add3A_718 = vector.broadcast %mul3A_6 : vector<1x1024xf32> to vector<128x1024xf32>
    %add3A_719 = vector.broadcast %get3A_717 : vector<128x1xf32> to vector<128x1024xf32>
    %add3A_720 = arith.addf %add3A_718, %add3A_719 : vector<128x1024xf32>
    %slice3A_721 = vector.extract_strided_slice %dot_general3A_662 {offsets = [512, 0], sizes = [128, 1024], strides = [1, 1]} : vector<1024x1024xf32> to vector<128x1024xf32>
    %sub3A_722 = arith.subf %add3A_720, %slice3A_721 : vector<128x1024xf32>
    %lt3A_723 = arith.cmpf olt, %sub3A_722, %select_n3A_711 : vector<128x1024xf32>
    %select_n3A_724 = arith.select %lt3A_723, %sub3A_722, %select_n3A_711 : vector<128x1024xi1>, vector<128x1024xf32>
    %jit3A_725 = arith.constant 52 : i32
    %broadcast_in_dim3A_726 = vector.broadcast %jit3A_725 : i32 to vector<128x1024xi32>
    %select_n3A_727 = arith.select %lt3A_723, %broadcast_in_dim3A_726, %select_n3A_714 : vector<128x1024xi1>, vector<128x1024xi32>
    %get3A_728 = arith.constant 6784 : index
    %get3A_729 = arith.constant 0 : index
    %get3A_730 = vector.load %arg3[%get3A_728, %get3A_729] : memref<8192x1xf32, #tpu.memory_space<vmem>>, vector<128x1xf32>
    %add3A_731 = vector.broadcast %mul3A_6 : vector<1x1024xf32> to vector<128x1024xf32>
    %add3A_732 = vector.broadcast %get3A_730 : vector<128x1xf32> to vector<128x1024xf32>
    %add3A_733 = arith.addf %add3A_731, %add3A_732 : vector<128x1024xf32>
    %slice3A_734 = vector.extract_strided_slice %dot_general3A_662 {offsets = [640, 0], sizes = [128, 1024], strides = [1, 1]} : vector<1024x1024xf32> to vector<128x1024xf32>
    %sub3A_735 = arith.subf %add3A_733, %slice3A_734 : vector<128x1024xf32>
    %lt3A_736 = arith.cmpf olt, %sub3A_735, %select_n3A_724 : vector<128x1024xf32>
    %select_n3A_737 = arith.select %lt3A_736, %sub3A_735, %select_n3A_724 : vector<128x1024xi1>, vector<128x1024xf32>
    %jit3A_738 = arith.constant 53 : i32
    %broadcast_in_dim3A_739 = vector.broadcast %jit3A_738 : i32 to vector<128x1024xi32>
    %select_n3A_740 = arith.select %lt3A_736, %broadcast_in_dim3A_739, %select_n3A_727 : vector<128x1024xi1>, vector<128x1024xi32>
    %get3A_741 = arith.constant 6912 : index
    %get3A_742 = arith.constant 0 : index
    %get3A_743 = vector.load %arg3[%get3A_741, %get3A_742] : memref<8192x1xf32, #tpu.memory_space<vmem>>, vector<128x1xf32>
    %add3A_744 = vector.broadcast %mul3A_6 : vector<1x1024xf32> to vector<128x1024xf32>
    %add3A_745 = vector.broadcast %get3A_743 : vector<128x1xf32> to vector<128x1024xf32>
    %add3A_746 = arith.addf %add3A_744, %add3A_745 : vector<128x1024xf32>
    %slice3A_747 = vector.extract_strided_slice %dot_general3A_662 {offsets = [768, 0], sizes = [128, 1024], strides = [1, 1]} : vector<1024x1024xf32> to vector<128x1024xf32>
    %sub3A_748 = arith.subf %add3A_746, %slice3A_747 : vector<128x1024xf32>
    %lt3A_749 = arith.cmpf olt, %sub3A_748, %select_n3A_737 : vector<128x1024xf32>
    %select_n3A_750 = arith.select %lt3A_749, %sub3A_748, %select_n3A_737 : vector<128x1024xi1>, vector<128x1024xf32>
    %jit3A_751 = arith.constant 54 : i32
    %broadcast_in_dim3A_752 = vector.broadcast %jit3A_751 : i32 to vector<128x1024xi32>
    %select_n3A_753 = arith.select %lt3A_749, %broadcast_in_dim3A_752, %select_n3A_740 : vector<128x1024xi1>, vector<128x1024xi32>
    %get3A_754 = arith.constant 7040 : index
    %get3A_755 = arith.constant 0 : index
    %get3A_756 = vector.load %arg3[%get3A_754, %get3A_755] : memref<8192x1xf32, #tpu.memory_space<vmem>>, vector<128x1xf32>
    %add3A_757 = vector.broadcast %mul3A_6 : vector<1x1024xf32> to vector<128x1024xf32>
    %add3A_758 = vector.broadcast %get3A_756 : vector<128x1xf32> to vector<128x1024xf32>
    %add3A_759 = arith.addf %add3A_757, %add3A_758 : vector<128x1024xf32>
    %slice3A_760 = vector.extract_strided_slice %dot_general3A_662 {offsets = [896, 0], sizes = [128, 1024], strides = [1, 1]} : vector<1024x1024xf32> to vector<128x1024xf32>
    %sub3A_761 = arith.subf %add3A_759, %slice3A_760 : vector<128x1024xf32>
    %lt3A_762 = arith.cmpf olt, %sub3A_761, %select_n3A_750 : vector<128x1024xf32>
    %select_n3A_763 = arith.select %lt3A_762, %sub3A_761, %select_n3A_750 : vector<128x1024xi1>, vector<128x1024xf32>
    %jit3A_764 = arith.constant 55 : i32
    %broadcast_in_dim3A_765 = vector.broadcast %jit3A_764 : i32 to vector<128x1024xi32>
    %select_n3A_766 = arith.select %lt3A_762, %broadcast_in_dim3A_765, %select_n3A_753 : vector<128x1024xi1>, vector<128x1024xi32>
    %get3A_767 = arith.constant 7168 : index
    %get3A_768 = arith.constant 0 : index
    %get3A_769 = vector.load %arg2[%get3A_767, %get3A_768] : memref<8192x32xf32, #tpu.memory_space<vmem>>, vector<1024x32xf32>
    %dot_general3A_770 = arith.constant dense<0.000000e+00> : vector<1024x1024xf32>
    %dot_general3A_771 = tpu.matmul %get3A_769, %reshape3A, %dot_general3A_770 {dimension_numbers = #tpu.dot_dimension_numbers<[1], [0], [0], [1], [0, 0, 1, 1], [], []>, transpose_lhs_hint = false} : vector<1024x32xf32>, vector<32x1024xf32>, vector<1024x1024xf32> -> vector<1024x1024xf32>
    %get3A_772 = arith.constant 7168 : index
    %get3A_773 = arith.constant 0 : index
    %get3A_774 = vector.load %arg3[%get3A_772, %get3A_773] : memref<8192x1xf32, #tpu.memory_space<vmem>>, vector<128x1xf32>
    %add3A_775 = vector.broadcast %mul3A_6 : vector<1x1024xf32> to vector<128x1024xf32>
    %add3A_776 = vector.broadcast %get3A_774 : vector<128x1xf32> to vector<128x1024xf32>
    %add3A_777 = arith.addf %add3A_775, %add3A_776 : vector<128x1024xf32>
    %slice3A_778 = vector.extract_strided_slice %dot_general3A_771 {offsets = [0, 0], sizes = [128, 1024], strides = [1, 1]} : vector<1024x1024xf32> to vector<128x1024xf32>
    %sub3A_779 = arith.subf %add3A_777, %slice3A_778 : vector<128x1024xf32>
    %lt3A_780 = arith.cmpf olt, %sub3A_779, %select_n3A_763 : vector<128x1024xf32>
    %select_n3A_781 = arith.select %lt3A_780, %sub3A_779, %select_n3A_763 : vector<128x1024xi1>, vector<128x1024xf32>
    %jit3A_782 = arith.constant 56 : i32
    %broadcast_in_dim3A_783 = vector.broadcast %jit3A_782 : i32 to vector<128x1024xi32>
    %select_n3A_784 = arith.select %lt3A_780, %broadcast_in_dim3A_783, %select_n3A_766 : vector<128x1024xi1>, vector<128x1024xi32>
    %get3A_785 = arith.constant 7296 : index
    %get3A_786 = arith.constant 0 : index
    %get3A_787 = vector.load %arg3[%get3A_785, %get3A_786] : memref<8192x1xf32, #tpu.memory_space<vmem>>, vector<128x1xf32>
    %add3A_788 = vector.broadcast %mul3A_6 : vector<1x1024xf32> to vector<128x1024xf32>
    %add3A_789 = vector.broadcast %get3A_787 : vector<128x1xf32> to vector<128x1024xf32>
    %add3A_790 = arith.addf %add3A_788, %add3A_789 : vector<128x1024xf32>
    %slice3A_791 = vector.extract_strided_slice %dot_general3A_771 {offsets = [128, 0], sizes = [128, 1024], strides = [1, 1]} : vector<1024x1024xf32> to vector<128x1024xf32>
    %sub3A_792 = arith.subf %add3A_790, %slice3A_791 : vector<128x1024xf32>
    %lt3A_793 = arith.cmpf olt, %sub3A_792, %select_n3A_781 : vector<128x1024xf32>
    %select_n3A_794 = arith.select %lt3A_793, %sub3A_792, %select_n3A_781 : vector<128x1024xi1>, vector<128x1024xf32>
    %jit3A_795 = arith.constant 57 : i32
    %broadcast_in_dim3A_796 = vector.broadcast %jit3A_795 : i32 to vector<128x1024xi32>
    %select_n3A_797 = arith.select %lt3A_793, %broadcast_in_dim3A_796, %select_n3A_784 : vector<128x1024xi1>, vector<128x1024xi32>
    %get3A_798 = arith.constant 7424 : index
    %get3A_799 = arith.constant 0 : index
    %get3A_800 = vector.load %arg3[%get3A_798, %get3A_799] : memref<8192x1xf32, #tpu.memory_space<vmem>>, vector<128x1xf32>
    %add3A_801 = vector.broadcast %mul3A_6 : vector<1x1024xf32> to vector<128x1024xf32>
    %add3A_802 = vector.broadcast %get3A_800 : vector<128x1xf32> to vector<128x1024xf32>
    %add3A_803 = arith.addf %add3A_801, %add3A_802 : vector<128x1024xf32>
    %slice3A_804 = vector.extract_strided_slice %dot_general3A_771 {offsets = [256, 0], sizes = [128, 1024], strides = [1, 1]} : vector<1024x1024xf32> to vector<128x1024xf32>
    %sub3A_805 = arith.subf %add3A_803, %slice3A_804 : vector<128x1024xf32>
    %lt3A_806 = arith.cmpf olt, %sub3A_805, %select_n3A_794 : vector<128x1024xf32>
    %select_n3A_807 = arith.select %lt3A_806, %sub3A_805, %select_n3A_794 : vector<128x1024xi1>, vector<128x1024xf32>
    %jit3A_808 = arith.constant 58 : i32
    %broadcast_in_dim3A_809 = vector.broadcast %jit3A_808 : i32 to vector<128x1024xi32>
    %select_n3A_810 = arith.select %lt3A_806, %broadcast_in_dim3A_809, %select_n3A_797 : vector<128x1024xi1>, vector<128x1024xi32>
    %get3A_811 = arith.constant 7552 : index
    %get3A_812 = arith.constant 0 : index
    %get3A_813 = vector.load %arg3[%get3A_811, %get3A_812] : memref<8192x1xf32, #tpu.memory_space<vmem>>, vector<128x1xf32>
    %add3A_814 = vector.broadcast %mul3A_6 : vector<1x1024xf32> to vector<128x1024xf32>
    %add3A_815 = vector.broadcast %get3A_813 : vector<128x1xf32> to vector<128x1024xf32>
    %add3A_816 = arith.addf %add3A_814, %add3A_815 : vector<128x1024xf32>
    %slice3A_817 = vector.extract_strided_slice %dot_general3A_771 {offsets = [384, 0], sizes = [128, 1024], strides = [1, 1]} : vector<1024x1024xf32> to vector<128x1024xf32>
    %sub3A_818 = arith.subf %add3A_816, %slice3A_817 : vector<128x1024xf32>
    %lt3A_819 = arith.cmpf olt, %sub3A_818, %select_n3A_807 : vector<128x1024xf32>
    %select_n3A_820 = arith.select %lt3A_819, %sub3A_818, %select_n3A_807 : vector<128x1024xi1>, vector<128x1024xf32>
    %jit3A_821 = arith.constant 59 : i32
    %broadcast_in_dim3A_822 = vector.broadcast %jit3A_821 : i32 to vector<128x1024xi32>
    %select_n3A_823 = arith.select %lt3A_819, %broadcast_in_dim3A_822, %select_n3A_810 : vector<128x1024xi1>, vector<128x1024xi32>
    %get3A_824 = arith.constant 7680 : index
    %get3A_825 = arith.constant 0 : index
    %get3A_826 = vector.load %arg3[%get3A_824, %get3A_825] : memref<8192x1xf32, #tpu.memory_space<vmem>>, vector<128x1xf32>
    %add3A_827 = vector.broadcast %mul3A_6 : vector<1x1024xf32> to vector<128x1024xf32>
    %add3A_828 = vector.broadcast %get3A_826 : vector<128x1xf32> to vector<128x1024xf32>
    %add3A_829 = arith.addf %add3A_827, %add3A_828 : vector<128x1024xf32>
    %slice3A_830 = vector.extract_strided_slice %dot_general3A_771 {offsets = [512, 0], sizes = [128, 1024], strides = [1, 1]} : vector<1024x1024xf32> to vector<128x1024xf32>
    %sub3A_831 = arith.subf %add3A_829, %slice3A_830 : vector<128x1024xf32>
    %lt3A_832 = arith.cmpf olt, %sub3A_831, %select_n3A_820 : vector<128x1024xf32>
    %select_n3A_833 = arith.select %lt3A_832, %sub3A_831, %select_n3A_820 : vector<128x1024xi1>, vector<128x1024xf32>
    %jit3A_834 = arith.constant 60 : i32
    %broadcast_in_dim3A_835 = vector.broadcast %jit3A_834 : i32 to vector<128x1024xi32>
    %select_n3A_836 = arith.select %lt3A_832, %broadcast_in_dim3A_835, %select_n3A_823 : vector<128x1024xi1>, vector<128x1024xi32>
    %get3A_837 = arith.constant 7808 : index
    %get3A_838 = arith.constant 0 : index
    %get3A_839 = vector.load %arg3[%get3A_837, %get3A_838] : memref<8192x1xf32, #tpu.memory_space<vmem>>, vector<128x1xf32>
    %add3A_840 = vector.broadcast %mul3A_6 : vector<1x1024xf32> to vector<128x1024xf32>
    %add3A_841 = vector.broadcast %get3A_839 : vector<128x1xf32> to vector<128x1024xf32>
    %add3A_842 = arith.addf %add3A_840, %add3A_841 : vector<128x1024xf32>
    %slice3A_843 = vector.extract_strided_slice %dot_general3A_771 {offsets = [640, 0], sizes = [128, 1024], strides = [1, 1]} : vector<1024x1024xf32> to vector<128x1024xf32>
    %sub3A_844 = arith.subf %add3A_842, %slice3A_843 : vector<128x1024xf32>
    %lt3A_845 = arith.cmpf olt, %sub3A_844, %select_n3A_833 : vector<128x1024xf32>
    %select_n3A_846 = arith.select %lt3A_845, %sub3A_844, %select_n3A_833 : vector<128x1024xi1>, vector<128x1024xf32>
    %jit3A_847 = arith.constant 61 : i32
    %broadcast_in_dim3A_848 = vector.broadcast %jit3A_847 : i32 to vector<128x1024xi32>
    %select_n3A_849 = arith.select %lt3A_845, %broadcast_in_dim3A_848, %select_n3A_836 : vector<128x1024xi1>, vector<128x1024xi32>
    %get3A_850 = arith.constant 7936 : index
    %get3A_851 = arith.constant 0 : index
    %get3A_852 = vector.load %arg3[%get3A_850, %get3A_851] : memref<8192x1xf32, #tpu.memory_space<vmem>>, vector<128x1xf32>
    %add3A_853 = vector.broadcast %mul3A_6 : vector<1x1024xf32> to vector<128x1024xf32>
    %add3A_854 = vector.broadcast %get3A_852 : vector<128x1xf32> to vector<128x1024xf32>
    %add3A_855 = arith.addf %add3A_853, %add3A_854 : vector<128x1024xf32>
    %slice3A_856 = vector.extract_strided_slice %dot_general3A_771 {offsets = [768, 0], sizes = [128, 1024], strides = [1, 1]} : vector<1024x1024xf32> to vector<128x1024xf32>
    %sub3A_857 = arith.subf %add3A_855, %slice3A_856 : vector<128x1024xf32>
    %lt3A_858 = arith.cmpf olt, %sub3A_857, %select_n3A_846 : vector<128x1024xf32>
    %select_n3A_859 = arith.select %lt3A_858, %sub3A_857, %select_n3A_846 : vector<128x1024xi1>, vector<128x1024xf32>
    %jit3A_860 = arith.constant 62 : i32
    %broadcast_in_dim3A_861 = vector.broadcast %jit3A_860 : i32 to vector<128x1024xi32>
    %select_n3A_862 = arith.select %lt3A_858, %broadcast_in_dim3A_861, %select_n3A_849 : vector<128x1024xi1>, vector<128x1024xi32>
    %get3A_863 = arith.constant 8064 : index
    %get3A_864 = arith.constant 0 : index
    %get3A_865 = vector.load %arg3[%get3A_863, %get3A_864] : memref<8192x1xf32, #tpu.memory_space<vmem>>, vector<128x1xf32>
    %add3A_866 = vector.broadcast %mul3A_6 : vector<1x1024xf32> to vector<128x1024xf32>
    %add3A_867 = vector.broadcast %get3A_865 : vector<128x1xf32> to vector<128x1024xf32>
    %add3A_868 = arith.addf %add3A_866, %add3A_867 : vector<128x1024xf32>
    %slice3A_869 = vector.extract_strided_slice %dot_general3A_771 {offsets = [896, 0], sizes = [128, 1024], strides = [1, 1]} : vector<1024x1024xf32> to vector<128x1024xf32>
    %sub3A_870 = arith.subf %add3A_868, %slice3A_869 : vector<128x1024xf32>
    %lt3A_871 = arith.cmpf olt, %sub3A_870, %select_n3A_859 : vector<128x1024xf32>
    %select_n3A_872 = arith.select %lt3A_871, %sub3A_870, %select_n3A_859 : vector<128x1024xi1>, vector<128x1024xf32>
    %jit3A_873 = arith.constant 63 : i32
    %broadcast_in_dim3A_874 = vector.broadcast %jit3A_873 : i32 to vector<128x1024xi32>
    %select_n3A_875 = arith.select %lt3A_871, %broadcast_in_dim3A_874, %select_n3A_862 : vector<128x1024xi1>, vector<128x1024xi32>
    %reduce_min3A = arith.constant dense<0x7F800000> : vector<1024xf32>
    %reduce_min3A_876 = vector.multi_reduction <minimumf>, %select_n3A_872, %reduce_min3A [0] : vector<128x1024xf32> to vector<1024xf32>
    %broadcast_in_dim3A_877 = vector.shape_cast %reduce_min3A_876 : vector<1024xf32> to vector<1x1024xf32>
    %mul3A_878 = arith.constant 128 : i32
    %mul3A_879 = vector.broadcast %mul3A_878 : i32 to vector<128x1024xi32>
    %mul3A_880 = arith.muli %select_n3A_875, %mul3A_879 : vector<128x1024xi32>
    %iota3A = tpu.iota {dimensions = array<i32: 0>} : vector<128x1024xi32>
    %add3A_881 = arith.addi %mul3A_880, %iota3A : vector<128x1024xi32>
    %le3A = vector.broadcast %broadcast_in_dim3A_877 : vector<1x1024xf32> to vector<128x1024xf32>
    %le3A_882 = arith.cmpf ole, %select_n3A_872, %le3A : vector<128x1024xf32>
    %jit3A_883 = arith.constant 2147483647 : i32
    %broadcast_in_dim3A_884 = vector.broadcast %jit3A_883 : i32 to vector<128x1024xi32>
    %select_n3A_885 = arith.select %le3A_882, %add3A_881, %broadcast_in_dim3A_884 : vector<128x1024xi1>, vector<128x1024xi32>
    %reduce_min3A_886 = arith.constant dense<2147483647> : vector<1024xi32>
    %reduce_min3A_887 = vector.multi_reduction <minsi>, %select_n3A_885, %reduce_min3A_886 [0] : vector<128x1024xi32> to vector<1024xi32>
    %broadcast_in_dim3A_888 = vector.shape_cast %reduce_min3A_887 : vector<1024xi32> to vector<1x1024xi32>
    %reshape3A_889 = vector.shape_cast %broadcast_in_dim3A_877 : vector<1x1024xf32> to vector<1x1x1024xf32>
    %swap3A = arith.constant 0 : index
    %swap3A_890 = arith.constant 0 : index
    %swap3A_891 = arith.constant 0 : index
    %swap3A_892 = vector.load %arg4[%swap3A, %swap3A_890, %swap3A_891] : memref<1x1x1024xf32, #tpu.memory_space<vmem>>, vector<1x1x1024xf32>
    tpu.vector_store %arg4[%swap3A, %swap3A_890, %swap3A_891], %reshape3A_889 {strides = array<i32>} : memref<1x1x1024xf32, #tpu.memory_space<vmem>>, vector<1x1x1024xf32>,
    %reshape3A_893 = vector.shape_cast %broadcast_in_dim3A_888 : vector<1x1024xi32> to vector<1x1x1024xi32>
    %swap3A_894 = arith.constant 0 : index
    %swap3A_895 = arith.constant 0 : index
    %swap3A_896 = arith.constant 0 : index
    %swap3A_897 = vector.load %arg5[%swap3A_894, %swap3A_895, %swap3A_896] : memref<1x1x1024xi32, #tpu.memory_space<vmem>>, vector<1x1x1024xi32>
    tpu.vector_store %arg5[%swap3A_894, %swap3A_895, %swap3A_896], %reshape3A_893 {strides = array<i32>} : memref<1x1x1024xi32, #tpu.memory_space<vmem>>, vector<1x1x1024xi32>,
    return
  }
  func.func @transform_0(%arg0: i32) -> (i32, i32, i32) {
    %c0_i32 = arith.constant 0 : i32
    %c0_i32_0 = arith.constant 0 : i32
    %c0_i32_1 = arith.constant 0 : i32
    return %arg0, %c0_i32, %c0_i32_0 : i32, i32, i32
  }
  func.func @transform_1(%arg0: i32) -> (i32, i32) {
    %c0_i32 = arith.constant 0 : i32
    %c0_i32_0 = arith.constant 0 : i32
    %c0_i32_1 = arith.constant 0 : i32
    return %c0_i32, %c0_i32_0 : i32, i32
  }
  func.func @transform_2(%arg0: i32) -> (i32, i32) {
    %c0_i32 = arith.constant 0 : i32
    %c0_i32_0 = arith.constant 0 : i32
    %c0_i32_1 = arith.constant 0 : i32
    return %c0_i32, %c0_i32_0 : i32, i32
  }
  func.func @transform_3(%arg0: i32) -> (i32, i32, i32) {
    %c0_i32 = arith.constant 0 : i32
    %c0_i32_0 = arith.constant 0 : i32
    %c0_i32_1 = arith.constant 0 : i32
    return %arg0, %c0_i32, %c0_i32_0 : i32, i32, i32
  }
  func.func @transform_4(%arg0: i32) -> (i32, i32, i32) {
    %c0_i32 = arith.constant 0 : i32
    %c0_i32_0 = arith.constant 0 : i32
    %c0_i32_1 = arith.constant 0 : i32
    return %arg0, %c0_i32, %c0_i32_0 : i32, i32, i32
  }
}

</mosaic_0001>

<sc_bundles>
// kernel: kernel.4.cloned.1.call-start
scs
__scs_entry_jumppad:
0x0: {  	(pc) =	sbr.rel $0x88, $3  }
0x1: {  	(tag) =	ssettag $0x0;
	lr =	simm.s32 $0x1  }
0x2: {  	[smem:$0x3F9D] =	sst lr;
	_ =	strace $0xD0000000  }
0x3: {  	_ = 	snop  }
0x4: {  	_ = 	snop  }
0x5: {  	_ = 	snop  }
0x6: {  	_ = 	snop  }
0x7: {  	_ = 	snop  }
__scs_overlays_trampoline_lowered:
0x8: {  	[smem:$0x3FAC] =	sst s0  }
0x9: {  	[smem:$0x3FAD] =	sst s1  }
0xa: {  	[smem:$0x3FAE] =	sst s2  }
0xb: {  	[smem:$0x3FAF] =	sst s3  }
0xc: {  	[smem:$0x3FB0] =	sst s4  }
0xd: {  	[smem:$0x3FB1] =	sst s5  }
0xe: {  	[smem:$0x3FB2] =	sst s6  }
0xf: {  	[smem:$0x3FB3] =	sst s7  }
0x10: {  	[smem:$0x3FB4] =	sst s8  }
0x11: {  	[smem:$0x3FB5] =	sst s9;
	s0 =	simm.s32 @!p0 $0x0  }
0x12: {  	s1 =	sld [smem:$0x3F9B];
	s0 =	simm.s32 @p0 $0x1  }
0x13: {  	[smem:$0x3FB6] =	sst s0;
	s0 =	simm.s32 @!p1 $0x0  }
0x14: {  	s2 =	sld [smem:$0x3F9A];
	s0 =	simm.s32 @p1 $0x1  }
0x15: {  	[smem:$0x3FB7] =	sst s0;
	s0 =	simm.s32 @!p2 $0x0  }
0x16: {  	s3 =	sld [smem:$0x3FDB];
	s0 =	simm.s32 @p2 $0x1  }
0x17: {  	s4 =	simm.s32 $0x1BF5;
	[smem:$0x3FB9] =	sst s0  }
0x18: {  	s0 =	sld [smem:$0x3F9C];
	_ =	swait.ge [sflag:s4], $0x0  }
0x19: {  	s7 =	sld [smem:$0x3F9D]  }
0x1a: {  	s8 =	sadd.s32 $0xFFFFE003, lr  }
0x1b: {  	s9 =	sadd.s32 $0xFFFFFEF7, lr;
	s5 =	simm.s32 $0xFFFFFFFF;
	p2 =	slt.u32 s8, $0xFFFFF086  }
0x1c: {  	p1 =	slt.u32 s9, $0xF7A;
	s5 =	simm.s32 @!p2 $0x0  }
0x1d: {  	s5 =	simm.s32 @p1 $0x1;
	p0 =	seq.s32 s7, s2  }
0x1e: {  	s7 =	smul.u32 @!p0 $0xF7A, s2;
	p2 =	seq.s32 @!p0 s5, $0x0  }
0x1f: {  	s9 =	smul.u32 $0xF7A, s1;
	s8 =	simm.s32 @!p0 $0x1BF5;
	p2 =	por !p2, p0  }
0x20: {  	[sflag:s8] =	ssyncset.s32 @!p0 $0xFFFFF086;
	s6 =	sadd.s32 @!p0 s3, s7;
	s7 =	simm.s32 @!p0 $0x108  }
0x21: {  	s3 =	sadd.s32 s3, s9;
	s6 =	sadd.s32 @!p0 $0x88, s6;
	s7 =	simm.s32 @p2 $0x1082  }
0x22: {  	[simem:s7], [sflag:s8] =	dma.local @!p0 [hbm:s6], $0xF7A  }
0x23: {  	s9 =	sor.u32 $0xD0000000, s2;
	s6 =	simm.s32 $0x108;
	_ =	swait.ge @!p0 [sflag:s8], $0x0  }
0x24: {  	s3 =	sadd.s32 $0x88, s3;
	s6 =	simm.s32 @!p1 $0x1082;
	[sflag:s4] =	ssyncset.s32 $0xFFFFF086  }
0x25: {  	[simem:s6], [sflag:s4] =	dma.local [hbm:s3], $0xF7A  }
0x26: {  	[smem:$0x3F9D] =	sst s1;
	(tag) =	ssettag s2;
	_ =	strace s9  }
0x27: {  	s1 =	sld [smem:$0x3FAD]  }
0x28: {  	s2 =	sld [smem:$0x3FAE]  }
0x29: {  	s4 =	sld [smem:$0x3FB0]  }
0x2a: {  	p0 =	seq.s32 s5, $0x0;
	s5 =	sld [smem:$0x3FB1]  }
0x2b: {  	s6 =	sld [smem:$0x3FB2]  }
0x2c: {  	s7 =	sld [smem:$0x3FB3]  }
0x2d: {  	s3 =	simm.s32 $0x108;
	s8 =	sld [smem:$0x3FB4]  }
0x2e: {  	s3 =	simm.s32 @!p0 $0x1082;
	s9 =	sld [smem:$0x3FB5]  }
0x2f: {  	lr =	sadd.s32 s0, s3;
	s0 =	sld [smem:$0x3FAC]  }
0x30: {  	s3 =	sld [smem:$0x3FAF]  }
0x31: {  	[smem:$0x3FB8] =	sst s10  }
0x32: {  	s10 =	sld [smem:$0x3FB6];
	_ =	sdelay $0x3  }
0x33: {  	p0 =	seq.s32 s10, $0x1;
	s10 =	sld [smem:$0x3FB8];
	_ =	sdelay $0x3  }
0x34: {  	[smem:$0x3FB8] =	sst s10  }
0x35: {  	s10 =	sld [smem:$0x3FB7];
	_ =	sdelay $0x3  }
0x36: {  	p1 =	seq.s32 s10, $0x1;
	s10 =	sld [smem:$0x3FB8];
	_ =	sdelay $0x3  }
0x37: {  	[smem:$0x3FB8] =	sst s10  }
0x38: {  	s10 =	sld [smem:$0x3FB9]  }
0x39: {  	_ = 	snop;
	(pc) =	sbr.ind lr, $3  }
0x3a: {  	_ = 	snop  }
0x3b: {  	_ = 	snop  }
0x3c: {  	p2 =	seq.s32 s10, $0x1;
	s10 =	sld [smem:$0x3FB8]  }
0x3d: {  	_ =	shalt  }
0x3e: {  	_ =	shalt  }
0x3f: {  	_ =	shalt  }
0x40: {  	_ =	shalt  }
0x41: {  	_ =	shalt  }
0x42: {  	_ =	shalt  }
0x43: {  	_ =	shalt  }
0x44: {  	_ =	shalt  }
0x45: {  	_ =	shalt  }
0x46: {  	_ =	shalt  }
0x47: {  	_ =	shalt  }
0x48: {  	_ =	shalt  }
0x49: {  	_ =	shalt  }
0x4a: {  	_ =	shalt  }
0x4b: {  	_ =	shalt  }
0x4c: {  	_ =	shalt  }
0x4d: {  	_ =	shalt  }
0x4e: {  	_ =	shalt  }
0x4f: {  	_ =	shalt  }
0x50: {  	_ =	shalt  }
0x51: {  	_ =	shalt  }
0x52: {  	_ =	shalt  }
0x53: {  	_ =	shalt  }
0x54: {  	_ =	shalt  }
0x55: {  	_ =	shalt  }
0x56: {  	_ =	shalt  }
0x57: {  	_ =	shalt  }
0x58: {  	_ =	shalt  }
0x59: {  	_ =	shalt  }
0x5a: {  	_ =	shalt  }
0x5b: {  	_ =	shalt  }
0x5c: {  	_ =	shalt  }
0x5d: {  	_ =	shalt  }
0x5e: {  	_ =	shalt  }
0x5f: {  	_ =	shalt  }
0x60: {  	_ =	shalt  }
0x61: {  	_ =	shalt  }
0x62: {  	_ =	shalt  }
0x63: {  	_ =	shalt  }
0x64: {  	_ =	shalt  }
0x65: {  	_ =	shalt  }
0x66: {  	_ =	shalt  }
0x67: {  	_ =	shalt  }
0x68: {  	_ =	shalt  }
0x69: {  	_ =	shalt  }
0x6a: {  	_ =	shalt  }
0x6b: {  	_ =	shalt  }
0x6c: {  	_ =	shalt  }
0x6d: {  	_ =	shalt  }
0x6e: {  	_ =	shalt  }
0x6f: {  	_ =	shalt  }
0x70: {  	_ =	shalt  }
0x71: {  	_ =	shalt  }
0x72: {  	_ =	shalt  }
0x73: {  	_ =	shalt  }
0x74: {  	_ =	shalt  }
0x75: {  	_ =	shalt  }
0x76: {  	_ =	shalt  }
0x77: {  	_ =	shalt  }
0x78: {  	_ =	shalt  }
0x79: {  	_ =	shalt  }
0x7a: {  	_ =	shalt  }
0x7b: {  	_ =	shalt  }
0x7c: {  	_ =	shalt  }
0x7d: {  	_ =	shalt  }
0x7e: {  	_ =	shalt  }
0x7f: {  	_ =	shalt  }
0x80: {  	_ =	shalt  }
0x81: {  	_ =	shalt  }
0x82: {  	_ =	shalt  }
0x83: {  	_ =	shalt  }
0x84: {  	_ =	shalt  }
0x85: {  	_ =	shalt  }
0x86: {  	_ =	shalt  }
0x87: {  	_ =	shalt  }
.Lfunc_end0:
.L_simem_size_0:
called_computation_lowered:
.L_overlay_start_0:
0x88: {  	s2 =	sld [smem:$0x3FD9]  }
0x89: {  	s3 =	sld [smem:$0x3FFE];
	_ =	sdelay $0x1  }
0x8a: {  	s1 =	srdreg.scid  }
0x8b: {  	s0 =	sand.u32 $0x1, s1  }
0x8c: {  	s14 =	sshll.u32 s0, $0xA;
	s2 =	sadd.s32 s3, s2  }
0x8d: {  	s2 =	sadd.s32 s2, s14  }
0x8e: {  	[smem:$0x3FC4] =	sst s2  }
0x8f: {  	_ = 	snop  }
0x90: {  	s2 =	sld [smem:$0x3FD0];
	_ =	sdelay $0x2  }
0x91: {  	s15 =	simm.s32 $0xA;
	s4 =	simm.s32 $0x10  }
0x92: {  	[smem:s4], [sflag:s15] =	dma.local [hbm:s2], $0x1  }
0x93: {  	_ =	swait.eq [sflag:s15], $0x1  }
0x94: {  	[sflag:s15] =	ssyncset.done $0x0  }
0x95: {  	[sflag:s15] =	ssyncadd.s32 $0xFFFFFFFF  }
0x96: {  	s16 =	sld [smem:$0x10];
	(tm) =	ssettm $0x1  }
0x97: {  	s17 =	sld [smem:$0x3FFB];
	_ =	sdelay $0x3  }
0x98: {  	_ =	strace s17  }
0x99: {  	s3 =	sld [smem:$0x3FFC];
	_ =	sdelay $0x3  }
0x9a: {  	_ =	strace s3  }
0x9b: {  	s3 =	sld [smem:$0x3FFD];
	_ =	sdelay $0x3  }
0x9c: {  	_ =	strace s3  }
0x9d: {  	_ =	strace $0x8FFFFFFF  }
0x9e: {  	s18 =	sld [smem:$0x3FDB];
	_ =	sdelay $0x1  }
0x9f: {  	s19 =	simm.s32 $_scs_section_size  }
0xa0: {  	s5 =	simm.s32 $_size__tile_overlayer_lowered;
	s6 =	simm.s32 $_tile_overlayer_lowered  }
0xa1: {  	s22 =	simm.s32 $0x1BFF;
	s21 =	sshll.u32 s6, $0x1;
	s3 =	sadd.s32 s19, s18  }
0xa2: {  	s7 =	simm.s32 $0x0;
	s20 =	sshll.u32 s5, $0x1;
	s5 =	sadd.s32 s21, s3  }
0xa3: {  	[timem:s7], [sflag:s22] =	dma.local [hbm:s5], s20  }
0xa4: {  	_ =	swait.ge [sflag:s22], s20  }
0xa5: {  	s4 =	ssub.s32 $0x0, s20;
	[sflag:s22] =	ssyncset.done $0x0  }
0xa6: {  	[sflag:s22] =	ssyncadd.s32 s4;
	_ =	sdelay $0x1  }
0xa7: {  	s23 =	simm.s32 $0x1B8B  }
0xa8: {  	_ =	swait.ge [sflag:s23], $0x1  }
0xa9: {  	[sflag:s23] =	ssyncset.done $0x0  }
0xaa: {  	s25 =	simm.s32 $0x1B8E;
	s24 =	sld [smem:$0x3FFE];
	[sflag:s23] =	ssyncadd.s32 $0xFFFFFFFF  }
0xab: {  	s26 =	simm.s32 $execute0_lowered;
	[smem:$0x3FD2] =	sst s25  }
0xac: {  	s5 =	sshll.u32 s26, $0x1;
	_ =	strace $0x80000046;
	[dreg:$0x1] =	wrdreg $0xFFFFFFFF  }
0xad: {  	s28 =	simm.s32 $_size_execute0_lowered;
	s3 =	sadd.s32 s3, s5;
	[dreg:$0x0] =	wrdreg $0x0  }
0xae: {  	s5 =	sshll.u32 s28, $0x1;
	[dreg:$0x2] =	wrdreg s3  }
0xaf: {  	[dreg:$0x3] =	wrdreg s5  }
0xb0: {  	[dreg:$0x4] =	wrdreg $0xC0  }
0xb1: {  	_ =	task [dreg:s7], $0x5FFFF  }
0xb2: {  	[dreg:$0x1] =	wrdreg $0xFFFFFFFF  }
0xb3: {  	[dreg:$0x0] =	wrdreg $0x60  }
0xb4: {  	[dreg:$0x2] =	wrdreg s16  }
0xb5: {  	[dreg:$0x3] =	wrdreg s24  }
0xb6: {  	[dreg:$0x4] =	wrdreg $0x9  }
0xb7: {  	_ =	task.clear_ibuf [dreg:s7], $0x5FFFF;
	_ =	strace $0x90000046  }
0xb8: {  	s29 =	simm.s32 $0x9;
	_ =	strace $0x80000048  }
0xb9: {  	_ =	swait.ge [sflag:s29], $0x1  }
0xba: {  	[sflag:s29] =	ssyncadd.s32 $0xFFFFFFFF  }
0xbb: {  	_ =	strace $0x90000048  }
0xbc: {  	_ =	sfence  }
0xbd: {  	s30 =	sld [smem:$0x0];
	_ =	sdelay $0x2  }
0xbe: {  	s31 =	sshll.u32 s1, $0xD;
	s1 =	sshrl.u32 s1, $0x2  }
0xbf: {  	s3 =	sand.u32 $0x4000, s31;
	s1 =	sadd.s32 s1, s30  }
0xc0: {  	s0 =	sor.u32 s3, s0;
	s1 =	sshll.u32 s1, $0x11  }
0xc1: {  	s0 =	sor.u32 s1, s0  }
0xc2: {  	s0 =	sadd.s32 $0x8F2B, s0  }
0xc3: {  	[sflag:s0] =	ssyncadd.remote.s32 $0x1  }
0xc4: {  	_ =	sfence.sel $0xFFFF  }
0xc5: {  	[dreg:$0x0] =	wrdreg $0xFFFFFFFF;
	(pc) =	sbr.abs _section_cstart, $3  }
0xc6: {  	[dreg:$0x1] =	wrdreg $0xFFFFFFFF  }
0xc7: {  	_ =	task.clear_ibuf [dreg:s7], $0x2FFFF;
	_ =	strace $0x9FFFFFFF  }
0xc8: {  	(tm) =	ssettm $0x7FFFFFFF  }
0xc9: {  	_ =	shalt  }
tec
execute0_lowered:
.L_overlay_start_1:
0x0: {  	(tag) =	ssettag $0x1  }
0x1: {  	s1 =	srdreg.scid  }
0x2: {  	s2 =	rddreg [dreg:$0x0];
	s0 =	stileid.u32;
	s10 =	sand.u32 $0x1, s1  }
0x3: {  	s11 =	rddreg [dreg:$0x1];
	s4 =	sshll.u32 s0, $0x9;
	s5 =	sshll.u32 s10, $0x8  }
0x4: {  	s3 =	simm.s32 $0x0;
	s1 =	rddreg [dreg:$0x2];
	s12 =	sor.u32 s5, s4  }
0x5: {  	[smem:$0x7FF] =	sst s3;
	s4 =	sshrl.u32 s12, $0x3  }
0x6: {  	_ =	strace $0x80000047;
	s5 =	sadd.s32 s11, s4;
	s4 =	simm.s32 $0x2  }
0x7: {  	[tilespmem:s3], [sflag:$0x2] =	stream.linear.gather [hbm4b:s5+s3], $0x100, $0x38;
	[tilespmem:$0x8100] =	vst v63  }
0x8: {  	_ =	swait.ge [sflag:s4], $0x100  }
0x9: {  	[sflag:s4] =	ssyncset.done $0x0  }
0xa: {  	s6 =	simm.s32 $0x80;
	s7 =	simm.s32 $0x100;
	[sflag:s4] =	ssyncadd.s32 $0xFFFFFF00  }
0xb: {  	[tilespmem:s7], [sflag:$0x1] =	stream.indirect.gather [hbm4b:s2+s6], $0x80, s3, s6, $0xb8;
	[tilespmem:$0x8100] =	vst v63  }
0xc: {  	s8 =	simm.s32 $0x4100;
	s9 =	simm.s32 $0x1;
	s10 =	ssub.s32 $0x2, s10  }
0xd: {  	[tilespmem:s8], [sflag:$0x1] =	stream.indirect.gather [hbm4b:s2+s6], $0x80, s6, s6, $0xb8;
	[tilespmem:$0x8100] =	vst v63  }
0xe: {  	s13 =	sshrl.u32 s10, $0x1;
	_ =	swait.ge [sflag:s9], $0x4000  }
0xf: {  	s30 =	ssub.s32 s10, s13;
	[sflag:s9] =	ssyncset.done $0x0  }
0x10: {  	s31 =	smax.u32 s30, $0x1;
	[sflag:s9] =	ssyncadd.s32 $0xFFFFC000  }
0x11: {  	s12 =	sshll.u32 s12, $0x4;
	p0 =	sne.s32 s31, $0x1;
	_ =	swait.ge [sflag:s9], $0x4000  }
.Ltmp0:
0x12: {  	s11 =	sadd.s32 s12, s11;
	[sflag:s9] =	ssyncset.done $0x0;
	(pc) =	sbr.rel @!p0 .LBB2_2-.Ltmp0, $4  }
0x13: {  	s10 =	sadd.s32 $0x400, s11;
	[sflag:s9] =	ssyncadd.s32 $0xFFFFC000  }
0x14: {  	[hbm4b:s10+s3] =	stream.linear.scatter [tilespmem:s7], [sflag:$0x2], $0x8000, $0x38;
	[tilespmem:$0x8100] =	vst v63  }
0x15: {  	_ =	swait.ge [sflag:s4], $0x8000  }
0x16: {  	s11 =	sadd.s32 $0xFFFFFFFF, s31;
	[sflag:s4] =	ssyncset.done $0x0  }
.LBB2_1:
0x17: {  	p0 =	sne.s32 s11, $0x1;
	s11 =	sadd.s32 $0xFFFFFFFF, s11;
	[sflag:s4] =	ssyncadd.s32 $0xFFFF8000  }
0x18: {  	[tilespmem:s3], [sflag:$0x2] =	stream.linear.gather [hbm4b:s5+s3], $0x100, $0x38;
	[tilespmem:$0x8100] =	vst v63  }
0x19: {  	_ =	swait.ge [sflag:s4], $0x100  }
0x1a: {  	[sflag:s4] =	ssyncset.done $0x0  }
0x1b: {  	[sflag:s4] =	ssyncadd.s32 $0xFFFFFF00  }
0x1c: {  	[tilespmem:s7], [sflag:$0x1] =	stream.indirect.gather [hbm4b:s2+s6], $0x80, s3, s6, $0xb8;
	[tilespmem:$0x8100] =	vst v63  }
0x1d: {  	_ = 	snop  }
0x1e: {  	[tilespmem:s8], [sflag:$0x1] =	stream.indirect.gather [hbm4b:s2+s6], $0x80, s6, s6, $0xb8;
	[tilespmem:$0x8100] =	vst v63  }
0x1f: {  	_ =	swait.ge [sflag:s9], $0x4000  }
0x20: {  	[sflag:s9] =	ssyncset.done $0x0  }
0x21: {  	[sflag:s9] =	ssyncadd.s32 $0xFFFFC000  }
0x22: {  	_ =	swait.ge [sflag:s9], $0x4000  }
.Ltmp1:
0x23: {  	[sflag:s9] =	ssyncset.done $0x0;
	(pc) =	sbr.rel @p0 .LBB2_1-.Ltmp1, $4  }
0x24: {  	[sflag:s9] =	ssyncadd.s32 $0xFFFFC000  }
0x25: {  	[hbm4b:s10+s3] =	stream.linear.scatter [tilespmem:s7], [sflag:$0x2], $0x8000, $0x38;
	[tilespmem:$0x8100] =	vst v63  }
0x26: {  	_ =	swait.ge [sflag:s4], $0x8000  }
0x27: {  	[sflag:s4] =	ssyncset.done $0x0  }
.LBB2_2:
0x28: {  	[sflag:s4] =	ssyncadd.s32 $0xFFFF8000  }
0x29: {  	_ =	sfence.sel $0x180000  }
0x2a: {  	[bflag:$0x0] =	sbarrier.arrive $0xFFFF  }
0x2b: {  	p0 =	sne.s32 s0, $0x0;
	_ =	strace $0x90000047  }
0x2c: {  	s0 =	sadd.s32 @!p0 $0x100000, s1;
	[bflag:$0x2] =	sbarrier.arrive $0xFFFF  }
0x2d: {  	[sflag:s0] =	ssyncadd.tile.s32 @!p0 $0x1;
	_ =	shalt  }
.Lfunc_end2:
_tile_overlayer_lowered:
.L_overlay_start_2:
0x2e: {  	(tag) =	ssettag $0x2  }
0x2f: {  	s0 =	rddreg [dreg:$0x0];
	s2 =	stileid.u32  }
0x30: {  	s1 =	rddreg [dreg:$0x1];
	p0 =	sne.s32 s2, $0x0  }
0x31: {  	s3 =	rddreg [dreg:$0x2];
	[bflag:$0x3] =	sbarrier.arrive $0xFFFF;
	s2 =	simm.s32 @!p0 $0x1C02  }
0x32: {  	[timem:s3], [sflag:s2] =	dma.local @!p0 [hbm:s0], s1  }
0x33: {  	s0 =	simm.s32 @!p0 $0x2  }
0x34: {  	_ =	swait.ge @!p0 [sflag:s0], s1  }
0x35: {  	s1 =	ssub.s32 @!p0 $0x0, s1;
	[sflag:s0] =	ssyncset.done @!p0 $0x0  }
0x36: {  	[sflag:s0] =	ssyncadd.s32 @!p0 s1  }
0x37: {  	[bflag:$0x3] =	sbarrier.arrive $0xFFFF  }
0x38: {  	_ =	shalt  }

</sc_bundles>
